<compile_context>
chip_gen: v7x
topology: tpu7x:2x2x1
jax: 0.10.2.dev20260603
libtpu: 0.0.44.dev20260713+nightly
codegen_flags: <defaults>
</compile_context>

<pallas_src>
import functools

import jax
import jax.numpy as jnp
from jax.experimental import pallas as pl
from jax.experimental.pallas import tpu as pltpu
from jax.experimental.pallas import tpu_sc as plsc


def _tc_project_table_t(embs_t, w, b):
    dim, vocab = embs_t.shape
    blk = 16384
    nsteps = -(-vocab // blk)

    def proj_kernel(e_ref, w_ref, b_ref, o_ref):
        z = (
            jax.lax.dot_general(
                e_ref[...],
                w_ref[...],
                (((0,), (1,)), ((), ())),
                preferred_element_type=jnp.float32,
            )
            + b_ref[...]
        )
        o_ref[:, :dim] = z
        o_ref[:, dim:] = jnp.zeros_like(z)

    return pl.pallas_call(
        proj_kernel,
        grid=(nsteps,),
        in_specs=[
            pl.BlockSpec((dim, blk), lambda i: (0, i)),
            pl.BlockSpec((dim, dim), lambda i: (0, 0)),
            pl.BlockSpec((1, dim), lambda i: (0, 0)),
        ],
        out_specs=pl.BlockSpec((blk, 2 * dim), lambda i: (i, 0)),
        out_shape=jax.ShapeDtypeStruct((vocab, 2 * dim), jnp.float32),
    )(embs_t, w, b.reshape(1, dim))


def _sc_gather(table_wide, idx_flat):
    n = idx_flat.shape[0]
    width = table_wide.shape[1]
    window = 256
    assert n % window == 0
    mesh = plsc.VectorSubcoreMesh(core_axis_name="core", subcore_axis_name="subcore")
    idx2d = idx_flat.reshape(1, n)

    @functools.partial(
        pl.kernel,
        out_type=jax.ShapeDtypeStruct((n, width), table_wide.dtype),
        mesh=mesh,
    )
    def gather_kernel(tab_hbm, i_hbm, o_hbm):
        def body(i_vmem, o_vmem):
            pltpu.sync_copy(tab_hbm.at[i_vmem.at[0]], o_vmem)

        pltpu.emit_pipeline(
            body,
            grid=(n // window,),
            in_specs=[pl.BlockSpec((1, window), lambda i: (0, i))],
            out_specs=[pl.BlockSpec((window, width), lambda i: (i, 0))],
            core_axis_name=("core", "subcore"),
            dimension_semantics=(pltpu.PARALLEL,),
        )(i_hbm, o_hbm)

    return gather_kernel(table_wide, idx2d)


def _tc_finish(rows, batch, seqlen, dim):
    bb = 32

    def fin_kernel(r_ref, o_ref):
        e = r_ref[:, :dim].reshape(bb, seqlen, dim)
        o_ref[...] = jnp.swapaxes(e, 1, 2)

    zt = pl.pallas_call(
        fin_kernel,
        grid=(batch // bb,),
        in_specs=[pl.BlockSpec((bb * seqlen, rows.shape[1]), lambda i: (i, 0))],
        out_specs=pl.BlockSpec((bb, dim, seqlen), lambda i: (i, 0, 0)),
        out_shape=jax.ShapeDtypeStruct((batch, dim, seqlen), jnp.float32),
    )(rows)
    return jnp.swapaxes(zt, 1, 2)


def kernel(x, tok_embs, W, b):
    batch, seqlen = x.shape
    vocab, dim = tok_embs.shape
    proj = _tc_project_table_t(tok_embs.T, W, b)
    rows = _sc_gather(proj, x.reshape(-1))
    return _tc_finish(rows, batch, seqlen, dim)

# --- scband reference (transcript-rebuilt; emitter-appended) ---
"""Pipeline reference for scband-latent-encoder-7713761264302 (READ-ONLY COPY).

The authoritative reference and input builder live on the scoring server;
editing this copy changes nothing except your own understanding.
"""

import jax, jax.numpy as jnp
import numpy as np

VOCAB = 1000000
DIM = 64
B = 4096
L = 50

def setup_inputs(seed: int = 0) -> dict:
    key = jax.random.key(seed)
    k1, k2, k3, k4 = jax.random.split(key, 4)
    x = jax.random.randint(k1, (B, L), 0, VOCAB, dtype=jnp.int64) if jax.config.jax_enable_x64 else jax.random.randint(k1, (B, L), 0, VOCAB, dtype=jnp.int32)
    tok_embs = jax.random.normal(k2, (VOCAB, DIM), dtype=jnp.float32) * 0.02
    W = jax.random.normal(k3, (DIM, DIM), dtype=jnp.float32) * (1.0 / np.sqrt(DIM))
    b = jax.random.normal(k4, (DIM,), dtype=jnp.float32) * 0.01
    return {"x": x, "tok_embs": tok_embs, "W": W, "b": b}

def reference(x, tok_embs, W, b):
    # embedding lookup (gather)
    embs = jnp.take(tok_embs, x, axis=0)  # [B, L, DIM]
    # linear layer: y = embs @ W^T + b (torch nn.Linear convention)
    z = jnp.einsum('bld,ed->ble', embs, W) + b
    return z

if __name__ == "__main__":
    import jax
    _d = setup_inputs()
    print(jax.jit(kernel)(*tuple(_d.values())))

</pallas_src>

<mosaic_0001>
#map = affine_map<(d0, d1) -> (0, 0)>
module attributes {stable_mosaic.version = 14 : i64} {
  func.func @gather_kernel(%arg0: i32, %arg1: i32, %arg2: memref<1000000x128xf32, #tpu.memory_space<hbm>>, %arg3: memref<1x204800xi32, #tpu.memory_space<hbm>>, %arg4: memref<204800x128xf32, #tpu.memory_space<hbm>>) attributes {dimension_semantics = [#tpu.dimension_semantics<core_parallel>, #tpu.dimension_semantics<subcore_parallel>], iteration_bounds = array<i64: 2, 16>, scalar_prefetch = 0 : i64, scratch_operands = 0 : i64, tpu.core_type = #tpu.core_type<sc_vector_subcore>, window_params = [{transform_indices = #map}, {transform_indices = #map}, {transform_indices = #map}]} {
    %mul3A = arith.constant 1 : i32
    %mul3A_0 = arith.muli %arg1, %mul3A : i32
    %add3A = arith.constant 0 : i32
    %add3A_1 = arith.addi %add3A, %mul3A_0 : i32
    %mul3A_2 = arith.constant 16 : i32
    %mul3A_3 = arith.muli %arg0, %mul3A_2 : i32
    %add3A_4 = arith.addi %add3A_1, %mul3A_3 : i32
    %mul3A_5 = arith.constant 25 : i32
    %mul3A_6 = arith.muli %add3A_4, %mul3A_5 : i32
    "tpu.region"() ({
      %run_scoped3A = memref.alloca() : memref<2x1x256xi32, #tpu.memory_space<vmem>>
      %run_scoped3A_7 = tpu.sem_alloc : memref<2x!tpu.dma_semaphore, #tpu.memory_space<semaphore_mem>>
      %run_scoped3A_8 = memref.alloca() : memref<2x256x128xf32, #tpu.memory_space<vmem>>
      %run_scoped3A_9 = tpu.sem_alloc : memref<2x!tpu.dma_semaphore, #tpu.memory_space<semaphore_mem>>
      %add3A_10 = arith.constant 0 : i32
      %add3A_11 = arith.addi %add3A_10, %mul3A_6 : i32
      %select_n3A = arith.constant true
      %select_n3A_12 = arith.constant 0 : i32
      %select_n3A_13 = arith.constant -1 : i32
      %select_n3A_14 = arith.select %select_n3A, %select_n3A_13, %select_n3A_12 : i32
      %eq3A = arith.constant -1 : i32
      %eq3A_15 = arith.cmpi eq, %select_n3A_14, %eq3A : i32
      %select_n3A_16 = arith.constant 24 : i32
      %select_n3A_17 = arith.select %eq3A_15, %select_n3A_16, %select_n3A_14 : i32
      %add3A_18 = arith.addi %select_n3A_17, %mul3A_6 : i32
      %select_n3A_19 = arith.constant true
      %select_n3A_20 = arith.constant 0 : i32
      %select_n3A_21 = arith.constant 1 : i32
      %select_n3A_22 = arith.select %select_n3A_19, %select_n3A_21, %select_n3A_20 : i32
      %eq3A_23 = arith.constant 25 : i32
      %eq3A_24 = arith.cmpi eq, %select_n3A_22, %eq3A_23 : i32
      %select_n3A_25 = arith.constant 0 : i32
      %select_n3A_26 = arith.select %eq3A_24, %select_n3A_25, %select_n3A_22 : i32
      %add3A_27 = arith.addi %select_n3A_26, %mul3A_6 : i32
      %add3A_28 = arith.constant 1 : i32
      %add3A_29 = arith.addi %select_n3A_26, %add3A_28 : i32
      %select_n3A_30 = arith.constant true
      %select_n3A_31 = arith.select %select_n3A_30, %add3A_29, %select_n3A_26 : i32
      %eq3A_32 = arith.constant 25 : i32
      %eq3A_33 = arith.cmpi eq, %select_n3A_31, %eq3A_32 : i32
      %select_n3A_34 = arith.constant 0 : i32
      %select_n3A_35 = arith.select %eq3A_33, %select_n3A_34, %select_n3A_31 : i32
      %add3A_36 = arith.addi %select_n3A_35, %mul3A_6 : i32
      "tpu.trace_start"() <{level = 10 : i32, message = "ep_initialize_0"}> : () -> ()
      %rem3A = arith.constant 0 : i32
      %rem3A_37 = arith.constant 2 : i32
      %rem3A_38 = arith.remui %rem3A, %rem3A_37 : i32
      %mul3A_39 = arith.constant 256 : i32
      %mul3A_40 = arith.muli %mul3A_39, %add3A_11 : i32
      %dma_start3A = arith.constant 0 : i32
      %dma_start3A_41 = arith.constant 0 : i32
      %dma_start3A_42 = tpu.memref_slice %run_scoped3A[%rem3A_38, %dma_start3A, %dma_start3A_41] : memref<2x1x256xi32, #tpu.memory_space<vmem>> -> memref<1x1x256xi32, #tpu.memory_space<vmem>>
      %dma_start3A_43 = tpu.memref_squeeze %dma_start3A_42 : memref<1x1x256xi32, #tpu.memory_space<vmem>> -> memref<1x256xi32, #tpu.memory_space<vmem>>
      %dma_start3A_44 = arith.constant 0 : i32
      %dma_start3A_45 = tpu.memref_slice %arg3[%dma_start3A_44, %mul3A_40] : memref<1x204800xi32, #tpu.memory_space<hbm>> -> memref<1x256xi32, #tpu.memory_space<hbm>>
      %dma_start3A_46 = tpu.memref_slice %run_scoped3A_7[%rem3A_38] : memref<2x!tpu.dma_semaphore, #tpu.memory_space<semaphore_mem>> -> memref<1x!tpu.dma_semaphore, #tpu.memory_space<semaphore_mem>>
      %dma_start3A_47 = tpu.memref_squeeze %dma_start3A_46 : memref<1x!tpu.dma_semaphore, #tpu.memory_space<semaphore_mem>> -> memref<!tpu.dma_semaphore, #tpu.memory_space<semaphore_mem>>
      %dma_start3A_48 = arith.constant 0 : i32
      %dma_start3A_49 = arith.constant 0 : i32
      %dma_start3A_50 = tpu.memref_slice %run_scoped3A[%rem3A_38, %dma_start3A_48, %dma_start3A_49] : memref<2x1x256xi32, #tpu.memory_space<vmem>> -> memref<1x1x256xi32, #tpu.memory_space<vmem>>
      %dma_start3A_51 = tpu.memref_squeeze %dma_start3A_50 : memref<1x1x256xi32, #tpu.memory_space<vmem>> -> memref<1x256xi32, #tpu.memory_space<vmem>>
      %dma_start3A_52 = arith.constant 0 : i32
      %dma_start3A_53 = tpu.memref_slice %arg3[%dma_start3A_52, %mul3A_40] : memref<1x204800xi32, #tpu.memory_space<hbm>> -> memref<1x256xi32, #tpu.memory_space<hbm>>
      tpu.enqueue_dma source(%dma_start3A_53 : memref<1x256xi32, #tpu.memory_space<hbm>>) target(%dma_start3A_51 : memref<1x256xi32, #tpu.memory_space<vmem>>) target_semaphore(%dma_start3A_47 : memref<!tpu.dma_semaphore, #tpu.memory_space<semaphore_mem>>)
      %add3A_54 = arith.constant 0 : i32
      %add3A_55 = arith.constant 1 : i32
      %add3A_56 = arith.addi %add3A_54, %add3A_55 : i32
      %select_n3A_57 = arith.constant true
      %select_n3A_58 = arith.constant 0 : i32
      %select_n3A_59 = arith.select %select_n3A_57, %add3A_56, %select_n3A_58 : i32
      "tpu.trace_stop"() : () -> ()
      %scan3A = arith.constant 0 : i32
      %scan3A_60 = arith.constant 0 : i32
      %scan3A_61 = arith.constant 0 : i32
      %scan3A_62 = arith.constant 0 : i32
      %scan3A_63 = arith.constant 0 : i32
      %scan3A_64 = arith.constant 25 : i32
      %scan3A_65 = arith.addi %scan3A_63, %scan3A_64 : i32
      %scan3A_66 = arith.constant 1 : i32
      %scan3A_67:5 = scf.for %scan3A_121 = %scan3A_63 to %scan3A_65 step %scan3A_66 iter_args(%scan3A_122 = %select_n3A_59, %scan3A_123 = %scan3A, %scan3A_124 = %scan3A_60, %scan3A_125 = %scan3A_61, %scan3A_126 = %scan3A_62) -> (i32, i32, i32, i32, i32)  : i32 {
        %eq3A_127 = arith.constant 0 : i32
        %eq3A_128 = arith.cmpi eq, %scan3A_121, %eq3A_127 : i32
        %eq3A_129 = arith.constant 24 : i32
        %eq3A_130 = arith.cmpi eq, %scan3A_121, %eq3A_129 : i32
        %add3A_131 = arith.addi %scan3A_126, %mul3A_6 : i32
        %sub3A_132 = arith.constant 1 : i32
        %sub3A_133 = arith.subi %scan3A_126, %sub3A_132 : i32
        %select_n3A_134 = arith.constant true
        %select_n3A_135 = arith.select %select_n3A_134, %sub3A_133, %scan3A_126 : i32
        %eq3A_136 = arith.constant -1 : i32
        %eq3A_137 = arith.cmpi eq, %select_n3A_135, %eq3A_136 : i32
        %select_n3A_138 = arith.constant 24 : i32
        %select_n3A_139 = arith.select %eq3A_137, %select_n3A_138, %select_n3A_135 : i32
        %add3A_140 = arith.addi %select_n3A_139, %mul3A_6 : i32
        %add3A_141 = arith.constant 1 : i32
        %add3A_142 = arith.addi %scan3A_126, %add3A_141 : i32
        %select_n3A_143 = arith.constant true
        %select_n3A_144 = arith.select %select_n3A_143, %add3A_142, %scan3A_126 : i32
        %eq3A_145 = arith.constant 25 : i32
        %eq3A_146 = arith.cmpi eq, %select_n3A_144, %eq3A_145 : i32
        %select_n3A_147 = arith.constant 0 : i32
        %select_n3A_148 = arith.select %eq3A_146, %select_n3A_147, %select_n3A_144 : i32
        %add3A_149 = arith.addi %select_n3A_148, %mul3A_6 : i32
        %add3A_150 = arith.constant 1 : i32
        %add3A_151 = arith.addi %select_n3A_148, %add3A_150 : i32
        %select_n3A_152 = arith.constant true
        %select_n3A_153 = arith.select %select_n3A_152, %add3A_151, %select_n3A_148 : i32
        %eq3A_154 = arith.constant 25 : i32
        %eq3A_155 = arith.cmpi eq, %select_n3A_153, %eq3A_154 : i32
        %select_n3A_156 = arith.constant 0 : i32
        %select_n3A_157 = arith.select %eq3A_155, %select_n3A_156, %select_n3A_153 : i32
        %add3A_158 = arith.addi %select_n3A_157, %mul3A_6 : i32
        %ne3A = arith.cmpi ne, %add3A_131, %add3A_149 : i32
        %or3A = arith.constant false
        %or3A_159 = arith.ori %or3A, %ne3A : i1
        %ge3A = arith.constant 24 : i32
        %ge3A_160 = arith.cmpi sge, %scan3A_121, %ge3A : i32
        %not3A = arith.constant true
        %not3A_161 = arith.xori %ge3A_160, %not3A : i1
        %and3A = arith.andi %or3A_159, %not3A_161 : i1
        %convert_element_type3A = arith.extui %and3A : i1 to i32
        %cond3A = arith.constant 0 : i32
        %cond3A_162 = arith.cmpi ne, %convert_element_type3A, %cond3A : i32
        scf.if %cond3A_162 {
          "tpu.trace_start"() <{level = 10 : i32, message = "ep_copy_in"}> : () -> ()
          %rem3A_264 = arith.constant 2 : i32
          %rem3A_265 = arith.remui %scan3A_122, %rem3A_264 : i32
          %mul3A_266 = arith.constant 256 : i32
          %mul3A_267 = arith.muli %mul3A_266, %add3A_149 : i32
          %dma_start3A_268 = arith.constant 0 : i32
          %dma_start3A_269 = arith.constant 0 : i32
          %dma_start3A_270 = tpu.memref_slice %run_scoped3A[%rem3A_265, %dma_start3A_268, %dma_start3A_269] : memref<2x1x256xi32, #tpu.memory_space<vmem>> -> memref<1x1x256xi32, #tpu.memory_space<vmem>>
          %dma_start3A_271 = tpu.memref_squeeze %dma_start3A_270 : memref<1x1x256xi32, #tpu.memory_space<vmem>> -> memref<1x256xi32, #tpu.memory_space<vmem>>
          %dma_start3A_272 = arith.constant 0 : i32
          %dma_start3A_273 = tpu.memref_slice %arg3[%dma_start3A_272, %mul3A_267] : memref<1x204800xi32, #tpu.memory_space<hbm>> -> memref<1x256xi32, #tpu.memory_space<hbm>>
          %dma_start3A_274 = tpu.memref_slice %run_scoped3A_7[%rem3A_265] : memref<2x!tpu.dma_semaphore, #tpu.memory_space<semaphore_mem>> -> memref<1x!tpu.dma_semaphore, #tpu.memory_space<semaphore_mem>>
          %dma_start3A_275 = tpu.memref_squeeze %dma_start3A_274 : memref<1x!tpu.dma_semaphore, #tpu.memory_space<semaphore_mem>> -> memref<!tpu.dma_semaphore, #tpu.memory_space<semaphore_mem>>
          %dma_start3A_276 = arith.constant 0 : i32
          %dma_start3A_277 = arith.constant 0 : i32
          %dma_start3A_278 = tpu.memref_slice %run_scoped3A[%rem3A_265, %dma_start3A_276, %dma_start3A_277] : memref<2x1x256xi32, #tpu.memory_space<vmem>> -> memref<1x1x256xi32, #tpu.memory_space<vmem>>
          %dma_start3A_279 = tpu.memref_squeeze %dma_start3A_278 : memref<1x1x256xi32, #tpu.memory_space<vmem>> -> memref<1x256xi32, #tpu.memory_space<vmem>>
          %dma_start3A_280 = arith.constant 0 : i32
          %dma_start3A_281 = tpu.memref_slice %arg3[%dma_start3A_280, %mul3A_267] : memref<1x204800xi32, #tpu.memory_space<hbm>> -> memref<1x256xi32, #tpu.memory_space<hbm>>
          tpu.enqueue_dma source(%dma_start3A_281 : memref<1x256xi32, #tpu.memory_space<hbm>>) target(%dma_start3A_279 : memref<1x256xi32, #tpu.memory_space<vmem>>) target_semaphore(%dma_start3A_275 : memref<!tpu.dma_semaphore, #tpu.memory_space<semaphore_mem>>)
          "tpu.trace_stop"() : () -> ()
        } else {
        }
        %and3A_163 = arith.constant true
        %and3A_164 = arith.andi %and3A, %and3A_163 : i1
        %add3A_165 = arith.constant 1 : i32
        %add3A_166 = arith.addi %scan3A_122, %add3A_165 : i32
        %select_n3A_167 = arith.select %and3A_164, %add3A_166, %scan3A_122 : i32
        %ne3A_168 = arith.cmpi ne, %add3A_131, %add3A_149 : i32
        %or3A_169 = arith.constant false
        %or3A_170 = arith.ori %or3A_169, %ne3A_168 : i1
        %or3A_171 = arith.constant false
        %or3A_172 = arith.ori %or3A_170, %or3A_171 : i1
        %ge3A_173 = arith.constant 24 : i32
        %ge3A_174 = arith.cmpi sge, %scan3A_121, %ge3A_173 : i32
        %not3A_175 = arith.constant true
        %not3A_176 = arith.xori %ge3A_174, %not3A_175 : i1
        %and3A_177 = arith.andi %or3A_172, %not3A_176 : i1
        %ne3A_178 = arith.cmpi ne, %add3A_131, %add3A_140 : i32
        %or3A_179 = arith.constant false
        %or3A_180 = arith.ori %or3A_179, %ne3A_178 : i1
        %or3A_181 = arith.ori %or3A_180, %eq3A_128 : i1
        %convert_element_type3A_182 = arith.extui %or3A_181 : i1 to i32
        %cond3A_183 = arith.constant 0 : i32
        %cond3A_184 = arith.cmpi ne, %convert_element_type3A_182, %cond3A_183 : i32
        scf.if %cond3A_184 {
          "tpu.trace_start"() <{level = 10 : i32, message = "ep_wait_in"}> : () -> ()
          %mul3A_264 = arith.constant 256 : i32
          %mul3A_265 = arith.muli %mul3A_264, %add3A_131 : i32
          %rem3A_266 = arith.constant 2 : i32
          %rem3A_267 = arith.remui %scan3A_123, %rem3A_266 : i32
          %dma_wait3A_268 = arith.constant 0 : i32
          %dma_wait3A_269 = arith.constant 0 : i32
          %dma_wait3A_270 = tpu.memref_slice %run_scoped3A[%rem3A_267, %dma_wait3A_268, %dma_wait3A_269] : memref<2x1x256xi32, #tpu.memory_space<vmem>> -> memref<1x1x256xi32, #tpu.memory_space<vmem>>
          %dma_wait3A_271 = tpu.memref_squeeze %dma_wait3A_270 : memref<1x1x256xi32, #tpu.memory_space<vmem>> -> memref<1x256xi32, #tpu.memory_space<vmem>>
          %dma_wait3A_272 = arith.constant 0 : i32
          %dma_wait3A_273 = tpu.memref_slice %arg3[%dma_wait3A_272, %mul3A_265] : memref<1x204800xi32, #tpu.memory_space<hbm>> -> memref<1x256xi32, #tpu.memory_space<hbm>>
          %dma_wait3A_274 = tpu.memref_slice %run_scoped3A_7[%rem3A_267] : memref<2x!tpu.dma_semaphore, #tpu.memory_space<semaphore_mem>> -> memref<1x!tpu.dma_semaphore, #tpu.memory_space<semaphore_mem>>
          %dma_wait3A_275 = tpu.memref_squeeze %dma_wait3A_274 : memref<1x!tpu.dma_semaphore, #tpu.memory_space<semaphore_mem>> -> memref<!tpu.dma_semaphore, #tpu.memory_space<semaphore_mem>>
          %dma_wait3A_276 = arith.constant 0 : i32
          %dma_wait3A_277 = arith.constant 0 : i32
          %dma_wait3A_278 = tpu.memref_slice %run_scoped3A[%rem3A_267, %dma_wait3A_276, %dma_wait3A_277] : memref<2x1x256xi32, #tpu.memory_space<vmem>> -> memref<1x1x256xi32, #tpu.memory_space<vmem>>
          %dma_wait3A_279 = tpu.memref_squeeze %dma_wait3A_278 : memref<1x1x256xi32, #tpu.memory_space<vmem>> -> memref<1x256xi32, #tpu.memory_space<vmem>>
          %dma_wait3A_280 = arith.constant 0 : i32
          %dma_wait3A_281 = tpu.memref_slice %arg3[%dma_wait3A_280, %mul3A_265] : memref<1x204800xi32, #tpu.memory_space<hbm>> -> memref<1x256xi32, #tpu.memory_space<hbm>>
          tpu.wait_dma2 semaphore(%dma_wait3A_275 : memref<!tpu.dma_semaphore, #tpu.memory_space<semaphore_mem>>) src(%dma_wait3A_281 : memref<1x256xi32, #tpu.memory_space<hbm>>) dst(%dma_wait3A_279 : memref<1x256xi32, #tpu.memory_space<vmem>>)
          "tpu.trace_stop"() : () -> ()
        } else {
        }
        %ne3A_185 = arith.cmpi ne, %add3A_131, %add3A_140 : i32
        %or3A_186 = arith.constant false
        %or3A_187 = arith.ori %or3A_186, %ne3A_185 : i1
        %or3A_188 = arith.constant false
        %or3A_189 = arith.ori %or3A_187, %or3A_188 : i1
        %or3A_190 = arith.ori %or3A_189, %eq3A_128 : i1
        %convert_element_type3A_191 = arith.extui %or3A_190 : i1 to i32
        %cond3A_192 = arith.constant 0 : i32
        %cond3A_193 = arith.cmpi ne, %convert_element_type3A_191, %cond3A_192 : i32
        scf.if %cond3A_193 {
        } else {
        }
        %rem3A_194 = arith.constant 2 : i32
        %rem3A_195 = arith.remui %scan3A_123, %rem3A_194 : i32
        %rem3A_196 = arith.constant 2 : i32
        %rem3A_197 = arith.remui %scan3A_124, %rem3A_196 : i32
        %run_scoped3A_198 = arith.constant 0 : i32
        "tpu.trace_start"() <{level = 10 : i32, message = "ep_run_kernel"}> : () -> ()
        "tpu.region"() ({
          %run_scoped3A_264 = tpu.sem_alloc : memref<!tpu.dma_semaphore, #tpu.memory_space<semaphore_mem>>
          %dma_start3A_265 = arith.constant 0 : i32
          %dma_start3A_266 = arith.constant 0 : i32
          %dma_start3A_267 = tpu.memref_slice %run_scoped3A_8[%rem3A_197, %dma_start3A_265, %dma_start3A_266] : memref<2x256x128xf32, #tpu.memory_space<vmem>> -> memref<1x256x128xf32, #tpu.memory_space<vmem>>
          %dma_start3A_268 = tpu.memref_squeeze %dma_start3A_267 : memref<1x256x128xf32, #tpu.memory_space<vmem>> -> memref<256x128xf32, #tpu.memory_space<vmem>>
          %dma_start3A_269 = arith.constant 0 : i32
          %dma_start3A_270 = arith.constant 0 : i32
          %dma_start3A_271 = tpu.memref_slice %run_scoped3A[%rem3A_195, %dma_start3A_269, %dma_start3A_270] : memref<2x1x256xi32, #tpu.memory_space<vmem>> -> memref<1x1x256xi32, #tpu.memory_space<vmem>>
          %dma_start3A_272 = tpu.memref_squeeze %dma_start3A_271 : memref<1x1x256xi32, #tpu.memory_space<vmem>> -> memref<1x256xi32, #tpu.memory_space<vmem>>
          %dma_start3A_273 = arith.constant 0 : i32
          %dma_start3A_274 = tpu.memref_slice %dma_start3A_272[%run_scoped3A_198, %dma_start3A_273] : memref<1x256xi32, #tpu.memory_space<vmem>> -> memref<1x256xi32, #tpu.memory_space<vmem>>
          %dma_start3A_275 = tpu.memref_squeeze %dma_start3A_274 : memref<1x256xi32, #tpu.memory_space<vmem>> -> memref<256xi32, #tpu.memory_space<vmem>>
          %dma_start3A_276 = arith.constant 0 : i32
          %dma_start3A_277 = arith.constant 0 : i32
          %dma_start3A_278 = tpu.memref_slice %arg2[%dma_start3A_276, %dma_start3A_277] : memref<1000000x128xf32, #tpu.memory_space<hbm>> -> memref<1000000x128xf32, #tpu.memory_space<hbm>>
          tpu.enqueue_indirect_dma source(%dma_start3A_278 : memref<1000000x128xf32, #tpu.memory_space<hbm>>) target(%dma_start3A_268 : memref<256x128xf32, #tpu.memory_space<vmem>>) offsets(%dma_start3A_275 : memref<256xi32, #tpu.memory_space<vmem>>) semaphore(%run_scoped3A_264 : memref<!tpu.dma_semaphore, #tpu.memory_space<semaphore_mem>>)
          %dma_wait3A_279 = arith.constant 0 : i32
          %dma_wait3A_280 = arith.constant 0 : i32
          %dma_wait3A_281 = tpu.memref_slice %run_scoped3A_8[%rem3A_197, %dma_wait3A_279, %dma_wait3A_280] : memref<2x256x128xf32, #tpu.memory_space<vmem>> -> memref<1x256x128xf32, #tpu.memory_space<vmem>>
          %dma_wait3A_282 = tpu.memref_squeeze %dma_wait3A_281 : memref<1x256x128xf32, #tpu.memory_space<vmem>> -> memref<256x128xf32, #tpu.memory_space<vmem>>
          %dma_wait3A_283 = arith.constant 0 : i32
          %dma_wait3A_284 = arith.constant 0 : i32
          %dma_wait3A_285 = tpu.memref_slice %run_scoped3A[%rem3A_195, %dma_wait3A_283, %dma_wait3A_284] : memref<2x1x256xi32, #tpu.memory_space<vmem>> -> memref<1x1x256xi32, #tpu.memory_space<vmem>>
          %dma_wait3A_286 = tpu.memref_squeeze %dma_wait3A_285 : memref<1x1x256xi32, #tpu.memory_space<vmem>> -> memref<1x256xi32, #tpu.memory_space<vmem>>
          %dma_wait3A_287 = arith.constant 0 : i32
          %dma_wait3A_288 = tpu.memref_slice %dma_wait3A_286[%run_scoped3A_198, %dma_wait3A_287] : memref<1x256xi32, #tpu.memory_space<vmem>> -> memref<1x256xi32, #tpu.memory_space<vmem>>
          %dma_wait3A_289 = tpu.memref_squeeze %dma_wait3A_288 : memref<1x256xi32, #tpu.memory_space<vmem>> -> memref<256xi32, #tpu.memory_space<vmem>>
          %dma_wait3A_290 = arith.constant 0 : i32
          %dma_wait3A_291 = arith.constant 0 : i32
          %dma_wait3A_292 = tpu.memref_slice %arg2[%dma_wait3A_290, %dma_wait3A_291] : memref<1000000x128xf32, #tpu.memory_space<hbm>> -> memref<1000000x128xf32, #tpu.memory_space<hbm>>
          tpu.wait_indirect_dma semaphore(%run_scoped3A_264 : memref<!tpu.dma_semaphore, #tpu.memory_space<semaphore_mem>>) src(%dma_wait3A_292 : memref<1000000x128xf32, #tpu.memory_space<hbm>>) dst(%dma_wait3A_282 : memref<256x128xf32, #tpu.memory_space<vmem>>)
          tpu.yield
        }) : () -> ()
        "tpu.trace_stop"() : () -> ()
        %ne3A_199 = arith.cmpi ne, %add3A_131, %add3A_149 : i32
        %or3A_200 = arith.constant false
        %or3A_201 = arith.ori %or3A_200, %ne3A_199 : i1
        %or3A_202 = arith.ori %or3A_201, %eq3A_130 : i1
        %convert_element_type3A_203 = arith.extui %or3A_202 : i1 to i32
        %cond3A_204 = arith.constant 0 : i32
        %cond3A_205 = arith.cmpi ne, %convert_element_type3A_203, %cond3A_204 : i32
        scf.if %cond3A_205 {
        } else {
        }
        %and3A_206 = arith.constant false
        %and3A_207 = arith.andi %or3A_202, %and3A_206 : i1
        %ne3A_208 = arith.cmpi ne, %add3A_131, %add3A_149 : i32
        %or3A_209 = arith.constant false
        %or3A_210 = arith.ori %or3A_209, %ne3A_208 : i1
        %or3A_211 = arith.constant false
        %or3A_212 = arith.ori %or3A_210, %or3A_211 : i1
        %or3A_213 = arith.ori %or3A_212, %eq3A_130 : i1
        %convert_element_type3A_214 = arith.extui %or3A_213 : i1 to i32
        %cond3A_215 = arith.constant 0 : i32
        %cond3A_216 = arith.cmpi ne, %convert_element_type3A_214, %cond3A_215 : i32
        scf.if %cond3A_216 {
          "tpu.trace_start"() <{level = 10 : i32, message = "ep_copy_out"}> : () -> ()
          %rem3A_264 = arith.constant 2 : i32
          %rem3A_265 = arith.remui %scan3A_124, %rem3A_264 : i32
          %mul3A_266 = arith.constant 256 : i32
          %mul3A_267 = arith.muli %mul3A_266, %add3A_131 : i32
          %dma_start3A_268 = arith.constant 0 : i32
          %dma_start3A_269 = arith.constant 0 : i32
          %dma_start3A_270 = tpu.memref_slice %run_scoped3A_8[%rem3A_265, %dma_start3A_268, %dma_start3A_269] : memref<2x256x128xf32, #tpu.memory_space<vmem>> -> memref<1x256x128xf32, #tpu.memory_space<vmem>>
          %dma_start3A_271 = tpu.memref_squeeze %dma_start3A_270 : memref<1x256x128xf32, #tpu.memory_space<vmem>> -> memref<256x128xf32, #tpu.memory_space<vmem>>
          %dma_start3A_272 = arith.constant 0 : i32
          %dma_start3A_273 = tpu.memref_slice %arg4[%mul3A_267, %dma_start3A_272] : memref<204800x128xf32, #tpu.memory_space<hbm>> -> memref<256x128xf32, #tpu.memory_space<hbm>>
          %dma_start3A_274 = tpu.memref_slice %run_scoped3A_9[%rem3A_265] : memref<2x!tpu.dma_semaphore, #tpu.memory_space<semaphore_mem>> -> memref<1x!tpu.dma_semaphore, #tpu.memory_space<semaphore_mem>>
          %dma_start3A_275 = tpu.memref_squeeze %dma_start3A_274 : memref<1x!tpu.dma_semaphore, #tpu.memory_space<semaphore_mem>> -> memref<!tpu.dma_semaphore, #tpu.memory_space<semaphore_mem>>
          %dma_start3A_276 = arith.constant 0 : i32
          %dma_start3A_277 = tpu.memref_slice %arg4[%mul3A_267, %dma_start3A_276] : memref<204800x128xf32, #tpu.memory_space<hbm>> -> memref<256x128xf32, #tpu.memory_space<hbm>>
          %dma_start3A_278 = arith.constant 0 : i32
          %dma_start3A_279 = arith.constant 0 : i32
          %dma_start3A_280 = tpu.memref_slice %run_scoped3A_8[%rem3A_265, %dma_start3A_278, %dma_start3A_279] : memref<2x256x128xf32, #tpu.memory_space<vmem>> -> memref<1x256x128xf32, #tpu.memory_space<vmem>>
          %dma_start3A_281 = tpu.memref_squeeze %dma_start3A_280 : memref<1x256x128xf32, #tpu.memory_space<vmem>> -> memref<256x128xf32, #tpu.memory_space<vmem>>
          tpu.enqueue_dma source(%dma_start3A_281 : memref<256x128xf32, #tpu.memory_space<vmem>>) target(%dma_start3A_277 : memref<256x128xf32, #tpu.memory_space<hbm>>) target_semaphore(%dma_start3A_275 : memref<!tpu.dma_semaphore, #tpu.memory_space<semaphore_mem>>)
          "tpu.trace_stop"() : () -> ()
        } else {
        }
        %and3A_217 = arith.constant true
        %and3A_218 = arith.andi %or3A_213, %and3A_217 : i1
        %add3A_219 = arith.constant 1 : i32
        %add3A_220 = arith.addi %scan3A_124, %add3A_219 : i32
        %select_n3A_221 = arith.select %and3A_218, %add3A_220, %scan3A_124 : i32
        %ne3A_222 = arith.cmpi ne, %add3A_131, %add3A_140 : i32
        %or3A_223 = arith.constant false
        %or3A_224 = arith.ori %or3A_223, %ne3A_222 : i1
        %not3A_225 = arith.constant true
        %not3A_226 = arith.xori %eq3A_128, %not3A_225 : i1
        %and3A_227 = arith.andi %or3A_224, %not3A_226 : i1
        %convert_element_type3A_228 = arith.extui %and3A_227 : i1 to i32
        %cond3A_229 = arith.constant 0 : i32
        %cond3A_230 = arith.cmpi ne, %convert_element_type3A_228, %cond3A_229 : i32
        scf.if %cond3A_230 {
        } else {
        }
        %and3A_231 = arith.constant false
        %and3A_232 = arith.andi %and3A_227, %and3A_231 : i1
        %ne3A_233 = arith.cmpi ne, %add3A_131, %add3A_140 : i32
        %or3A_234 = arith.constant false
        %or3A_235 = arith.ori %or3A_234, %ne3A_233 : i1
        %or3A_236 = arith.constant false
        %or3A_237 = arith.ori %or3A_235, %or3A_236 : i1
        %not3A_238 = arith.constant true
        %not3A_239 = arith.xori %eq3A_128, %not3A_238 : i1
        %and3A_240 = arith.andi %or3A_237, %not3A_239 : i1
        %convert_element_type3A_241 = arith.extui %and3A_240 : i1 to i32
        %cond3A_242 = arith.constant 0 : i32
        %cond3A_243 = arith.cmpi ne, %convert_element_type3A_241, %cond3A_242 : i32
        scf.if %cond3A_243 {
          "tpu.trace_start"() <{level = 10 : i32, message = "ep_wait_out"}> : () -> ()
          %rem3A_264 = arith.constant 2 : i32
          %rem3A_265 = arith.remui %scan3A_125, %rem3A_264 : i32
          %mul3A_266 = arith.constant 256 : i32
          %mul3A_267 = arith.muli %mul3A_266, %add3A_140 : i32
          %dma_wait3A_268 = arith.constant 0 : i32
          %dma_wait3A_269 = arith.constant 0 : i32
          %dma_wait3A_270 = tpu.memref_slice %run_scoped3A_8[%rem3A_265, %dma_wait3A_268, %dma_wait3A_269] : memref<2x256x128xf32, #tpu.memory_space<vmem>> -> memref<1x256x128xf32, #tpu.memory_space<vmem>>
          %dma_wait3A_271 = tpu.memref_squeeze %dma_wait3A_270 : memref<1x256x128xf32, #tpu.memory_space<vmem>> -> memref<256x128xf32, #tpu.memory_space<vmem>>
          %dma_wait3A_272 = arith.constant 0 : i32
          %dma_wait3A_273 = tpu.memref_slice %arg4[%mul3A_267, %dma_wait3A_272] : memref<204800x128xf32, #tpu.memory_space<hbm>> -> memref<256x128xf32, #tpu.memory_space<hbm>>
          %dma_wait3A_274 = tpu.memref_slice %run_scoped3A_9[%rem3A_265] : memref<2x!tpu.dma_semaphore, #tpu.memory_space<semaphore_mem>> -> memref<1x!tpu.dma_semaphore, #tpu.memory_space<semaphore_mem>>
          %dma_wait3A_275 = tpu.memref_squeeze %dma_wait3A_274 : memref<1x!tpu.dma_semaphore, #tpu.memory_space<semaphore_mem>> -> memref<!tpu.dma_semaphore, #tpu.memory_space<semaphore_mem>>
          %dma_wait3A_276 = arith.constant 0 : i32
          %dma_wait3A_277 = tpu.memref_slice %arg4[%mul3A_267, %dma_wait3A_276] : memref<204800x128xf32, #tpu.memory_space<hbm>> -> memref<256x128xf32, #tpu.memory_space<hbm>>
          %dma_wait3A_278 = arith.constant 0 : i32
          %dma_wait3A_279 = arith.constant 0 : i32
          %dma_wait3A_280 = tpu.memref_slice %run_scoped3A_8[%rem3A_265, %dma_wait3A_278, %dma_wait3A_279] : memref<2x256x128xf32, #tpu.memory_space<vmem>> -> memref<1x256x128xf32, #tpu.memory_space<vmem>>
          %dma_wait3A_281 = tpu.memref_squeeze %dma_wait3A_280 : memref<1x256x128xf32, #tpu.memory_space<vmem>> -> memref<256x128xf32, #tpu.memory_space<vmem>>
          tpu.wait_dma2 semaphore(%dma_wait3A_275 : memref<!tpu.dma_semaphore, #tpu.memory_space<semaphore_mem>>) src(%dma_wait3A_281 : memref<256x128xf32, #tpu.memory_space<vmem>>) dst(%dma_wait3A_277 : memref<256x128xf32, #tpu.memory_space<hbm>>)
          "tpu.trace_stop"() : () -> ()
        } else {
        }
        %and3A_244 = arith.constant true
        %and3A_245 = arith.andi %and3A_240, %and3A_244 : i1
        %add3A_246 = arith.constant 1 : i32
        %add3A_247 = arith.addi %scan3A_125, %add3A_246 : i32
        %select_n3A_248 = arith.select %and3A_245, %add3A_247, %scan3A_125 : i32
        %ne3A_249 = arith.cmpi ne, %add3A_131, %add3A_149 : i32
        %or3A_250 = arith.constant false
        %or3A_251 = arith.ori %or3A_250, %ne3A_249 : i1
        %or3A_252 = arith.ori %or3A_251, %eq3A_130 : i1
        %add3A_253 = arith.constant 1 : i32
        %add3A_254 = arith.addi %scan3A_123, %add3A_253 : i32
        %select_n3A_255 = arith.select %or3A_252, %add3A_254, %scan3A_123 : i32
        %add3A_256 = arith.constant 1 : i32
        %add3A_257 = arith.addi %scan3A_126, %add3A_256 : i32
        %select_n3A_258 = arith.constant true
        %select_n3A_259 = arith.select %select_n3A_258, %add3A_257, %scan3A_126 : i32
        %eq3A_260 = arith.constant 25 : i32
        %eq3A_261 = arith.cmpi eq, %select_n3A_259, %eq3A_260 : i32
        %select_n3A_262 = arith.constant 0 : i32
        %select_n3A_263 = arith.select %eq3A_261, %select_n3A_262, %select_n3A_259 : i32
        scf.yield %select_n3A_167, %select_n3A_255, %select_n3A_221, %select_n3A_248, %select_n3A_263 : i32, i32, i32, i32, i32
      }
      %scan3A_68 = arith.constant 25 : i32
      %sub3A = arith.constant 1 : i32
      %sub3A_69 = arith.subi %scan3A_67#4, %sub3A : i32
      %select_n3A_70 = arith.constant true
      %select_n3A_71 = arith.select %select_n3A_70, %sub3A_69, %scan3A_67#4 : i32
      %eq3A_72 = arith.constant -1 : i32
      %eq3A_73 = arith.cmpi eq, %select_n3A_71, %eq3A_72 : i32
      %select_n3A_74 = arith.constant 24 : i32
      %select_n3A_75 = arith.select %eq3A_73, %select_n3A_74, %select_n3A_71 : i32
      %add3A_76 = arith.addi %select_n3A_75, %mul3A_6 : i32
      %sub3A_77 = arith.constant 1 : i32
      %sub3A_78 = arith.subi %select_n3A_75, %sub3A_77 : i32
      %select_n3A_79 = arith.constant true
      %select_n3A_80 = arith.select %select_n3A_79, %sub3A_78, %select_n3A_75 : i32
      %eq3A_81 = arith.constant -1 : i32
      %eq3A_82 = arith.cmpi eq, %select_n3A_80, %eq3A_81 : i32
      %select_n3A_83 = arith.constant 24 : i32
      %select_n3A_84 = arith.select %eq3A_82, %select_n3A_83, %select_n3A_80 : i32
      %add3A_85 = arith.addi %select_n3A_84, %mul3A_6 : i32
      %add3A_86 = arith.constant 1 : i32
      %add3A_87 = arith.addi %select_n3A_75, %add3A_86 : i32
      %select_n3A_88 = arith.constant true
      %select_n3A_89 = arith.select %select_n3A_88, %add3A_87, %select_n3A_75 : i32
      %eq3A_90 = arith.constant 25 : i32
      %eq3A_91 = arith.cmpi eq, %select_n3A_89, %eq3A_90 : i32
      %select_n3A_92 = arith.constant 0 : i32
      %select_n3A_93 = arith.select %eq3A_91, %select_n3A_92, %select_n3A_89 : i32
      %add3A_94 = arith.addi %select_n3A_93, %mul3A_6 : i32
      %add3A_95 = arith.constant 1 : i32
      %add3A_96 = arith.addi %select_n3A_93, %add3A_95 : i32
      %select_n3A_97 = arith.constant true
      %select_n3A_98 = arith.select %select_n3A_97, %add3A_96, %select_n3A_93 : i32
      %eq3A_99 = arith.constant 25 : i32
      %eq3A_100 = arith.cmpi eq, %select_n3A_98, %eq3A_99 : i32
      %select_n3A_101 = arith.constant 0 : i32
      %select_n3A_102 = arith.select %eq3A_100, %select_n3A_101, %select_n3A_98 : i32
      %add3A_103 = arith.addi %select_n3A_102, %mul3A_6 : i32
      "tpu.trace_start"() <{level = 10 : i32, message = "ep_finalize"}> : () -> ()
      %rem3A_104 = arith.constant 2 : i32
      %rem3A_105 = arith.remui %scan3A_67#3, %rem3A_104 : i32
      %mul3A_106 = arith.constant 256 : i32
      %mul3A_107 = arith.muli %mul3A_106, %add3A_76 : i32
      %dma_wait3A = arith.constant 0 : i32
      %dma_wait3A_108 = arith.constant 0 : i32
      %dma_wait3A_109 = tpu.memref_slice %run_scoped3A_8[%rem3A_105, %dma_wait3A, %dma_wait3A_108] : memref<2x256x128xf32, #tpu.memory_space<vmem>> -> memref<1x256x128xf32, #tpu.memory_space<vmem>>
      %dma_wait3A_110 = tpu.memref_squeeze %dma_wait3A_109 : memref<1x256x128xf32, #tpu.memory_space<vmem>> -> memref<256x128xf32, #tpu.memory_space<vmem>>
      %dma_wait3A_111 = arith.constant 0 : i32
      %dma_wait3A_112 = tpu.memref_slice %arg4[%mul3A_107, %dma_wait3A_111] : memref<204800x128xf32, #tpu.memory_space<hbm>> -> memref<256x128xf32, #tpu.memory_space<hbm>>
      %dma_wait3A_113 = tpu.memref_slice %run_scoped3A_9[%rem3A_105] : memref<2x!tpu.dma_semaphore, #tpu.memory_space<semaphore_mem>> -> memref<1x!tpu.dma_semaphore, #tpu.memory_space<semaphore_mem>>
      %dma_wait3A_114 = tpu.memref_squeeze %dma_wait3A_113 : memref<1x!tpu.dma_semaphore, #tpu.memory_space<semaphore_mem>> -> memref<!tpu.dma_semaphore, #tpu.memory_space<semaphore_mem>>
      %dma_wait3A_115 = arith.constant 0 : i32
      %dma_wait3A_116 = tpu.memref_slice %arg4[%mul3A_107, %dma_wait3A_115] : memref<204800x128xf32, #tpu.memory_space<hbm>> -> memref<256x128xf32, #tpu.memory_space<hbm>>
      %dma_wait3A_117 = arith.constant 0 : i32
      %dma_wait3A_118 = arith.constant 0 : i32
      %dma_wait3A_119 = tpu.memref_slice %run_scoped3A_8[%rem3A_105, %dma_wait3A_117, %dma_wait3A_118] : memref<2x256x128xf32, #tpu.memory_space<vmem>> -> memref<1x256x128xf32, #tpu.memory_space<vmem>>
      %dma_wait3A_120 = tpu.memref_squeeze %dma_wait3A_119 : memref<1x256x128xf32, #tpu.memory_space<vmem>> -> memref<256x128xf32, #tpu.memory_space<vmem>>
      tpu.wait_dma2 semaphore(%dma_wait3A_114 : memref<!tpu.dma_semaphore, #tpu.memory_space<semaphore_mem>>) src(%dma_wait3A_120 : memref<256x128xf32, #tpu.memory_space<vmem>>) dst(%dma_wait3A_116 : memref<256x128xf32, #tpu.memory_space<hbm>>)
      "tpu.trace_stop"() : () -> ()
      tpu.yield
    }) : () -> ()
    return
  }
}

module attributes {stable_mosaic.version = 14 : i64} {
  func.func @proj_kernel(%arg0: i32, %arg1: memref<64x16384xf32, #tpu.memory_space<vmem>>, %arg2: memref<64x64xf32, #tpu.memory_space<vmem>>, %arg3: memref<1x64xf32, #tpu.memory_space<vmem>>, %arg4: memref<16384x128xf32, #tpu.memory_space<vmem>>) attributes {dimension_semantics = [#tpu.dimension_semantics<arbitrary>], iteration_bounds = array<i64: 62>, scalar_prefetch = 0 : i64, scratch_operands = 0 : i64, tpu.core_type = #tpu.core_type<tc>, window_params = [{transform_indices = @transform_0, window_bounds = array<i64: 64, 16384>}, {pipeline_mode = #tpu.pipeline_mode<synchronous>, transform_indices = @transform_1, window_bounds = array<i64: 64, 64>}, {pipeline_mode = #tpu.pipeline_mode<synchronous>, transform_indices = @transform_2, window_bounds = array<i64: 1, 64>}, {transform_indices = @transform_3, window_bounds = array<i64: 16384, 128>}]} {
    %get3A = arith.constant 0 : index
    %get3A_0 = arith.constant 0 : index
    %get3A_1 = vector.load %arg1[%get3A, %get3A_0] : memref<64x16384xf32, #tpu.memory_space<vmem>>, vector<64x16384xf32>
    %get3A_2 = arith.constant 0 : index
    %get3A_3 = arith.constant 0 : index
    %get3A_4 = vector.load %arg2[%get3A_2, %get3A_3] : memref<64x64xf32, #tpu.memory_space<vmem>>, vector<64x64xf32>
    %dot_general3A = arith.constant dense<0.000000e+00> : vector<16384x64xf32>
    %dot_general3A_5 = tpu.matmul %get3A_1, %get3A_4, %dot_general3A {dimension_numbers = #tpu.dot_dimension_numbers<[0], [1], [1], [0], [0, 1, 1, 0], [], []>, transpose_lhs_hint = false} : vector<64x16384xf32>, vector<64x64xf32>, vector<16384x64xf32> -> vector<16384x64xf32>
    %get3A_6 = arith.constant 0 : index
    %get3A_7 = arith.constant 0 : index
    %get3A_8 = vector.load %arg3[%get3A_6, %get3A_7] : memref<1x64xf32, #tpu.memory_space<vmem>>, vector<1x64xf32>
    %add3A = vector.broadcast %get3A_8 : vector<1x64xf32> to vector<16384x64xf32>
    %add3A_9 = arith.addf %dot_general3A_5, %add3A : vector<16384x64xf32>
    %swap3A = arith.constant 0 : index
    %swap3A_10 = arith.constant 0 : index
    %swap3A_11 = vector.load %arg4[%swap3A, %swap3A_10] : memref<16384x128xf32, #tpu.memory_space<vmem>>, vector<16384x64xf32>
    tpu.vector_store %arg4[%swap3A, %swap3A_10], %add3A_9 {strides = array<i32>} : memref<16384x128xf32, #tpu.memory_space<vmem>>, vector<16384x64xf32>,
    %broadcast_in_dim3A = arith.constant 0.000000e+00 : f32
    %broadcast_in_dim3A_12 = vector.broadcast %broadcast_in_dim3A : f32 to vector<16384x64xf32>
    %swap3A_13 = arith.constant 0 : index
    %swap3A_14 = arith.constant 64 : index
    %swap3A_15 = vector.load %arg4[%swap3A_13, %swap3A_14] : memref<16384x128xf32, #tpu.memory_space<vmem>>, vector<16384x64xf32>
    tpu.vector_store %arg4[%swap3A_13, %swap3A_14], %broadcast_in_dim3A_12 {strides = array<i32>} : memref<16384x128xf32, #tpu.memory_space<vmem>>, vector<16384x64xf32>,
    return
  }
  func.func @transform_0(%arg0: i32) -> (i32, i32) {
    %c0_i32 = arith.constant 0 : i32
    %c0_i32_0 = arith.constant 0 : i32
    return %c0_i32, %arg0 : i32, i32
  }
  func.func @transform_1(%arg0: i32) -> (i32, i32) {
    %c0_i32 = arith.constant 0 : i32
    %c0_i32_0 = arith.constant 0 : i32
    %c0_i32_1 = arith.constant 0 : i32
    return %c0_i32, %c0_i32_0 : i32, i32
  }
  func.func @transform_2(%arg0: i32) -> (i32, i32) {
    %c0_i32 = arith.constant 0 : i32
    %c0_i32_0 = arith.constant 0 : i32
    %c0_i32_1 = arith.constant 0 : i32
    return %c0_i32, %c0_i32_0 : i32, i32
  }
  func.func @transform_3(%arg0: i32) -> (i32, i32) {
    %c0_i32 = arith.constant 0 : i32
    %c0_i32_0 = arith.constant 0 : i32
    return %arg0, %c0_i32 : i32, i32
  }
}

module attributes {stable_mosaic.version = 14 : i64} {
  func.func @fin_kernel(%arg0: i32, %arg1: memref<1600x128xf32, #tpu.memory_space<vmem>>, %arg2: memref<32x64x50xf32, #tpu.memory_space<vmem>>) attributes {dimension_semantics = [#tpu.dimension_semantics<arbitrary>], iteration_bounds = array<i64: 128>, scalar_prefetch = 0 : i64, scratch_operands = 0 : i64, tpu.core_type = #tpu.core_type<tc>, window_params = [{transform_indices = @transform_0, window_bounds = array<i64: 1600, 128>}, {transform_indices = @transform_1, window_bounds = array<i64: 32, 64, 50>}]} {
    %get3A = arith.constant 0 : index
    %get3A_0 = arith.constant 0 : index
    %get3A_1 = vector.load %arg1[%get3A, %get3A_0] : memref<1600x128xf32, #tpu.memory_space<vmem>>, vector<1600x64xf32>
    %reshape3A = vector.shape_cast %get3A_1 : vector<1600x64xf32> to vector<32x50x64xf32>
    %transpose3A = tpu.transpose %reshape3A, [0, 2, 1] : vector<32x50x64xf32> -> vector<32x64x50xf32>
    %swap3A = arith.constant 0 : index
    %swap3A_2 = arith.constant 0 : index
    %swap3A_3 = arith.constant 0 : index
    %swap3A_4 = vector.load %arg2[%swap3A, %swap3A_2, %swap3A_3] : memref<32x64x50xf32, #tpu.memory_space<vmem>>, vector<32x64x50xf32>
    tpu.vector_store %arg2[%swap3A, %swap3A_2, %swap3A_3], %transpose3A {strides = array<i32>} : memref<32x64x50xf32, #tpu.memory_space<vmem>>, vector<32x64x50xf32>,
    return
  }
  func.func @transform_0(%arg0: i32) -> (i32, i32) {
    %c0_i32 = arith.constant 0 : i32
    %c0_i32_0 = arith.constant 0 : i32
    return %arg0, %c0_i32 : i32, i32
  }
  func.func @transform_1(%arg0: i32) -> (i32, i32, i32) {
    %c0_i32 = arith.constant 0 : i32
    %c0_i32_0 = arith.constant 0 : i32
    %c0_i32_1 = arith.constant 0 : i32
    return %arg0, %c0_i32, %c0_i32_0 : i32, i32, i32
  }
}

</mosaic_0001>

<sc_bundles>
// kernel: kernel.5.cloned.1.call-start
scs
__scs_entry_jumppad:
0x0: {  	(pc) =	sbr.rel $0x88, $3  }
0x1: {  	(tag) =	ssettag $0x0;
	lr =	simm.s32 $0x1  }
0x2: {  	[smem:$0x3F9D] =	sst lr;
	_ =	strace $0xD0000000  }
0x3: {  	_ = 	snop  }
0x4: {  	_ = 	snop  }
0x5: {  	_ = 	snop  }
0x6: {  	_ = 	snop  }
0x7: {  	_ = 	snop  }
__scs_overlays_trampoline_lowered:
0x8: {  	[smem:$0x3FAC] =	sst s0  }
0x9: {  	[smem:$0x3FAD] =	sst s1  }
0xa: {  	[smem:$0x3FAE] =	sst s2  }
0xb: {  	[smem:$0x3FAF] =	sst s3  }
0xc: {  	[smem:$0x3FB0] =	sst s4  }
0xd: {  	[smem:$0x3FB1] =	sst s5  }
0xe: {  	[smem:$0x3FB2] =	sst s6  }
0xf: {  	[smem:$0x3FB3] =	sst s7  }
0x10: {  	[smem:$0x3FB4] =	sst s8  }
0x11: {  	[smem:$0x3FB5] =	sst s9;
	s0 =	simm.s32 @!p0 $0x0  }
0x12: {  	s1 =	sld [smem:$0x3F9B];
	s0 =	simm.s32 @p0 $0x1  }
0x13: {  	[smem:$0x3FB6] =	sst s0;
	s0 =	simm.s32 @!p1 $0x0  }
0x14: {  	s2 =	sld [smem:$0x3F9A];
	s0 =	simm.s32 @p1 $0x1  }
0x15: {  	[smem:$0x3FB7] =	sst s0;
	s0 =	simm.s32 @!p2 $0x0  }
0x16: {  	s3 =	sld [smem:$0x3FDB];
	s0 =	simm.s32 @p2 $0x1  }
0x17: {  	s4 =	simm.s32 $0x1BF5;
	[smem:$0x3FB9] =	sst s0  }
0x18: {  	s0 =	sld [smem:$0x3F9C];
	_ =	swait.ge [sflag:s4], $0x0  }
0x19: {  	s7 =	sld [smem:$0x3F9D]  }
0x1a: {  	s8 =	sadd.s32 $0xFFFFE003, lr  }
0x1b: {  	s9 =	sadd.s32 $0xFFFFFEF7, lr;
	s5 =	simm.s32 $0xFFFFFFFF;
	p2 =	slt.u32 s8, $0xFFFFF086  }
0x1c: {  	p1 =	slt.u32 s9, $0xF7A;
	s5 =	simm.s32 @!p2 $0x0  }
0x1d: {  	s5 =	simm.s32 @p1 $0x1;
	p0 =	seq.s32 s7, s2  }
0x1e: {  	s7 =	smul.u32 @!p0 $0xF7A, s2;
	p2 =	seq.s32 @!p0 s5, $0x0  }
0x1f: {  	s9 =	smul.u32 $0xF7A, s1;
	s8 =	simm.s32 @!p0 $0x1BF5;
	p2 =	por !p2, p0  }
0x20: {  	[sflag:s8] =	ssyncset.s32 @!p0 $0xFFFFF086;
	s6 =	sadd.s32 @!p0 s3, s7;
	s7 =	simm.s32 @!p0 $0x108  }
0x21: {  	s3 =	sadd.s32 s3, s9;
	s6 =	sadd.s32 @!p0 $0x88, s6;
	s7 =	simm.s32 @p2 $0x1082  }
0x22: {  	[simem:s7], [sflag:s8] =	dma.local @!p0 [hbm:s6], $0xF7A  }
0x23: {  	s9 =	sor.u32 $0xD0000000, s2;
	s6 =	simm.s32 $0x108;
	_ =	swait.ge @!p0 [sflag:s8], $0x0  }
0x24: {  	s3 =	sadd.s32 $0x88, s3;
	s6 =	simm.s32 @!p1 $0x1082;
	[sflag:s4] =	ssyncset.s32 $0xFFFFF086  }
0x25: {  	[simem:s6], [sflag:s4] =	dma.local [hbm:s3], $0xF7A  }
0x26: {  	[smem:$0x3F9D] =	sst s1;
	(tag) =	ssettag s2;
	_ =	strace s9  }
0x27: {  	s1 =	sld [smem:$0x3FAD]  }
0x28: {  	s2 =	sld [smem:$0x3FAE]  }
0x29: {  	s4 =	sld [smem:$0x3FB0]  }
0x2a: {  	p0 =	seq.s32 s5, $0x0;
	s5 =	sld [smem:$0x3FB1]  }
0x2b: {  	s6 =	sld [smem:$0x3FB2]  }
0x2c: {  	s7 =	sld [smem:$0x3FB3]  }
0x2d: {  	s3 =	simm.s32 $0x108;
	s8 =	sld [smem:$0x3FB4]  }
0x2e: {  	s3 =	simm.s32 @!p0 $0x1082;
	s9 =	sld [smem:$0x3FB5]  }
0x2f: {  	lr =	sadd.s32 s0, s3;
	s0 =	sld [smem:$0x3FAC]  }
0x30: {  	s3 =	sld [smem:$0x3FAF]  }
0x31: {  	[smem:$0x3FB8] =	sst s10  }
0x32: {  	s10 =	sld [smem:$0x3FB6];
	_ =	sdelay $0x3  }
0x33: {  	p0 =	seq.s32 s10, $0x1;
	s10 =	sld [smem:$0x3FB8];
	_ =	sdelay $0x3  }
0x34: {  	[smem:$0x3FB8] =	sst s10  }
0x35: {  	s10 =	sld [smem:$0x3FB7];
	_ =	sdelay $0x3  }
0x36: {  	p1 =	seq.s32 s10, $0x1;
	s10 =	sld [smem:$0x3FB8];
	_ =	sdelay $0x3  }
0x37: {  	[smem:$0x3FB8] =	sst s10  }
0x38: {  	s10 =	sld [smem:$0x3FB9]  }
0x39: {  	_ = 	snop;
	(pc) =	sbr.ind lr, $3  }
0x3a: {  	_ = 	snop  }
0x3b: {  	_ = 	snop  }
0x3c: {  	p2 =	seq.s32 s10, $0x1;
	s10 =	sld [smem:$0x3FB8]  }
0x3d: {  	_ =	shalt  }
0x3e: {  	_ =	shalt  }
0x3f: {  	_ =	shalt  }
0x40: {  	_ =	shalt  }
0x41: {  	_ =	shalt  }
0x42: {  	_ =	shalt  }
0x43: {  	_ =	shalt  }
0x44: {  	_ =	shalt  }
0x45: {  	_ =	shalt  }
0x46: {  	_ =	shalt  }
0x47: {  	_ =	shalt  }
0x48: {  	_ =	shalt  }
0x49: {  	_ =	shalt  }
0x4a: {  	_ =	shalt  }
0x4b: {  	_ =	shalt  }
0x4c: {  	_ =	shalt  }
0x4d: {  	_ =	shalt  }
0x4e: {  	_ =	shalt  }
0x4f: {  	_ =	shalt  }
0x50: {  	_ =	shalt  }
0x51: {  	_ =	shalt  }
0x52: {  	_ =	shalt  }
0x53: {  	_ =	shalt  }
0x54: {  	_ =	shalt  }
0x55: {  	_ =	shalt  }
0x56: {  	_ =	shalt  }
0x57: {  	_ =	shalt  }
0x58: {  	_ =	shalt  }
0x59: {  	_ =	shalt  }
0x5a: {  	_ =	shalt  }
0x5b: {  	_ =	shalt  }
0x5c: {  	_ =	shalt  }
0x5d: {  	_ =	shalt  }
0x5e: {  	_ =	shalt  }
0x5f: {  	_ =	shalt  }
0x60: {  	_ =	shalt  }
0x61: {  	_ =	shalt  }
0x62: {  	_ =	shalt  }
0x63: {  	_ =	shalt  }
0x64: {  	_ =	shalt  }
0x65: {  	_ =	shalt  }
0x66: {  	_ =	shalt  }
0x67: {  	_ =	shalt  }
0x68: {  	_ =	shalt  }
0x69: {  	_ =	shalt  }
0x6a: {  	_ =	shalt  }
0x6b: {  	_ =	shalt  }
0x6c: {  	_ =	shalt  }
0x6d: {  	_ =	shalt  }
0x6e: {  	_ =	shalt  }
0x6f: {  	_ =	shalt  }
0x70: {  	_ =	shalt  }
0x71: {  	_ =	shalt  }
0x72: {  	_ =	shalt  }
0x73: {  	_ =	shalt  }
0x74: {  	_ =	shalt  }
0x75: {  	_ =	shalt  }
0x76: {  	_ =	shalt  }
0x77: {  	_ =	shalt  }
0x78: {  	_ =	shalt  }
0x79: {  	_ =	shalt  }
0x7a: {  	_ =	shalt  }
0x7b: {  	_ =	shalt  }
0x7c: {  	_ =	shalt  }
0x7d: {  	_ =	shalt  }
0x7e: {  	_ =	shalt  }
0x7f: {  	_ =	shalt  }
0x80: {  	_ =	shalt  }
0x81: {  	_ =	shalt  }
0x82: {  	_ =	shalt  }
0x83: {  	_ =	shalt  }
0x84: {  	_ =	shalt  }
0x85: {  	_ =	shalt  }
0x86: {  	_ =	shalt  }
0x87: {  	_ =	shalt  }
.Lfunc_end0:
.L_simem_size_0:
called_computation.1_lowered:
.L_overlay_start_0:
0x88: {  	s2 =	sld [smem:$0x3FD9]  }
0x89: {  	s3 =	sld [smem:$0x3FFE];
	_ =	sdelay $0x1  }
0x8a: {  	s1 =	srdreg.scid  }
0x8b: {  	s0 =	sand.u32 $0x1, s1  }
0x8c: {  	s17 =	sshll.u32 s0, $0xA;
	s2 =	sadd.s32 s3, s2  }
0x8d: {  	s2 =	sadd.s32 s2, s17  }
0x8e: {  	[smem:$0x3FC4] =	sst s2  }
0x8f: {  	_ = 	snop  }
0x90: {  	s2 =	sld [smem:$0x3FD0];
	(tm) =	ssettm $0x1  }
0x91: {  	s18 =	sld [smem:$0x3FFB];
	_ =	sdelay $0x3  }
0x92: {  	_ =	strace s18  }
0x93: {  	s3 =	sld [smem:$0x3FFC];
	_ =	sdelay $0x3  }
0x94: {  	_ =	strace s3  }
0x95: {  	s3 =	sld [smem:$0x3FFD];
	_ =	sdelay $0x3  }
0x96: {  	_ =	strace s3  }
0x97: {  	_ =	strace $0x8FFFFFFF  }
0x98: {  	s19 =	sld [smem:$0x3FDB];
	_ =	sdelay $0x1  }
0x99: {  	s4 =	simm.s32 $_scs_section_size  }
0x9a: {  	s5 =	simm.s32 $_size__tile_overlayer_lowered;
	s6 =	simm.s32 $_tile_overlayer_lowered  }
0x9b: {  	s22 =	simm.s32 $0x1BFF;
	s21 =	sshll.u32 s6, $0x1;
	s3 =	sadd.s32 s4, s19  }
0x9c: {  	s7 =	simm.s32 $0x0;
	s20 =	sshll.u32 s5, $0x1;
	s5 =	sadd.s32 s21, s3  }
0x9d: {  	[timem:s7], [sflag:s22] =	dma.local [hbm:s5], s20  }
0x9e: {  	_ =	swait.ge [sflag:s22], s20  }
0x9f: {  	s4 =	ssub.s32 $0x0, s20;
	[sflag:s22] =	ssyncset.done $0x0  }
0xa0: {  	[sflag:s22] =	ssyncadd.s32 s4;
	_ =	sdelay $0x1  }
0xa1: {  	s23 =	simm.s32 $0x1B8B  }
0xa2: {  	_ =	swait.ge [sflag:s23], $0x1  }
0xa3: {  	[sflag:s23] =	ssyncset.done $0x0  }
0xa4: {  	s25 =	simm.s32 $0x1B8E;
	s24 =	sld [smem:$0x3FFE];
	[sflag:s23] =	ssyncadd.s32 $0xFFFFFFFF  }
0xa5: {  	s26 =	simm.s32 $execute0_lowered;
	[smem:$0x3FD2] =	sst s25  }
0xa6: {  	s5 =	sshll.u32 s26, $0x1;
	_ =	strace $0x80000046;
	[dreg:$0x1] =	wrdreg $0xFFFFFFFF  }
0xa7: {  	s28 =	simm.s32 $_size_execute0_lowered;
	s3 =	sadd.s32 s3, s5;
	[dreg:$0x0] =	wrdreg $0x0  }
0xa8: {  	s5 =	sshll.u32 s28, $0x1;
	[dreg:$0x2] =	wrdreg s3  }
0xa9: {  	[dreg:$0x3] =	wrdreg s5  }
0xaa: {  	[dreg:$0x4] =	wrdreg $0xC0  }
0xab: {  	_ =	task [dreg:s7], $0x5FFFF  }
0xac: {  	[dreg:$0x1] =	wrdreg $0xFFFFFFFF  }
0xad: {  	[dreg:$0x0] =	wrdreg $0x60  }
0xae: {  	[dreg:$0x2] =	wrdreg s24  }
0xaf: {  	[dreg:$0x3] =	wrdreg s2  }
0xb0: {  	[dreg:$0x4] =	wrdreg $0x9  }
0xb1: {  	_ =	task.clear_ibuf [dreg:s7], $0x5FFFF;
	_ =	strace $0x90000046  }
0xb2: {  	s29 =	simm.s32 $0x9;
	_ =	strace $0x8000004F  }
0xb3: {  	_ =	swait.ge [sflag:s29], $0x1  }
0xb4: {  	[sflag:s29] =	ssyncadd.s32 $0xFFFFFFFF  }
0xb5: {  	_ =	strace $0x9000004F  }
0xb6: {  	_ =	sfence  }
0xb7: {  	s30 =	sld [smem:$0x0];
	_ =	sdelay $0x2  }
0xb8: {  	s31 =	sshll.u32 s1, $0xD;
	s1 =	sshrl.u32 s1, $0x2  }
0xb9: {  	s3 =	sand.u32 $0x4000, s31;
	s1 =	sadd.s32 s1, s30  }
0xba: {  	s0 =	sor.u32 s3, s0;
	s1 =	sshll.u32 s1, $0x11  }
0xbb: {  	s0 =	sor.u32 s1, s0  }
0xbc: {  	s0 =	sadd.s32 $0x8F2B, s0  }
0xbd: {  	[sflag:s0] =	ssyncadd.remote.s32 $0x1  }
0xbe: {  	_ =	sfence.sel $0xFFFF  }
0xbf: {  	[dreg:$0x0] =	wrdreg $0xFFFFFFFF;
	(pc) =	sbr.abs _section_cstart, $3  }
0xc0: {  	[dreg:$0x1] =	wrdreg $0xFFFFFFFF  }
0xc1: {  	_ =	task.clear_ibuf [dreg:s7], $0x2FFFF;
	_ =	strace $0x9FFFFFFF  }
0xc2: {  	(tm) =	ssettm $0x7FFFFFFF  }
0xc3: {  	_ =	shalt  }
tec
execute0_lowered:
.L_overlay_start_1:
0x0: {  	(tag) =	ssettag $0x1  }
0x1: {  	s4 =	rddreg [dreg:$0x0]  }
0x2: {  	s1 =	rddreg [dreg:$0x1]  }
0x3: {  	s0 =	rddreg [dreg:$0x2];
	s2 =	simm.s32 $0x0  }
0x4: {  	s3 =	srdreg.scid;
	s31 =	simm.s32 $0x100;
	s9 =	simm.s32 $0x3  }
0x5: {  	s10 =	simm.s32 $0x0;
	[smem:$0x7FF] =	sst s2;
	s5 =	sand.u32 $0x1, s3  }
0x6: {  	s6 =	sadd.s32 $0xC00, s4;
	s3 =	stileid.u32;
	s4 =	sadd.s32 $0xF43000, s4  }
0x7: {  	_ =	strace $0x80000047;
	s7 =	sshll.u32 s5, $0x4;
	s5 =	ssub.s32 $0x2, s5  }
0x8: {  	[dreg:$0x3] =	wrdreg s6;
	s29 =	sor.u32 s3, s7;
	s30 =	sshrl.u32 s5, $0x1  }
0x9: {  	[dreg:$0x5] =	wrdreg s4;
	s8 =	smul.u32 $0x320, s29;
	s7 =	ssub.s32 s5, s30  }
0xa: {  	[dreg:$0x4] =	wrdreg s31;
	s4 =	smul.u32 $0x19, s29;
	s6 =	smax.u32 s7, $0x1  }
0xb: {  	s7 =	simm.s32 $0x1;
	s5 =	sadd.s32 s1, s8;
	s8 =	simm.s32 $0x5  }
.LBB2_1:
0xc: {  	_ =	strace $0x80000048;
	s11 =	simm.s32 $0x1;
	p0 =	por $0x0, $0x0  }
0xd: {  	[tilespmem:s2], [sflag:$0x1] =	stream.linear.gather [hbm4b:s5+s2], $0x100, $0x200038;
	[tilespmem:$0x10200] =	vst v63  }
0xe: {  	s11 =	simm.s32 @p0 $0x0  }
0xf: {  	p4 =	por $0x1, $0x1;
	s20 =	sand.u32 $0x1, s2;
	p1 =	sne.s32 s11, $0x0  }
0x10: {  	p2 =	por $0x1, $0x1;
	s18 =	simm.s32 $0x17;
	p0 =	por !p4, !p1  }
0x11: {  	s16 =	simm.s32 $0x0;
	p5 =	por $0x0, $0x0;
	p0 =	por !p0, !p0  }
0x12: {  	s23 =	sadd.s32 $0x0, s4;
	s30 =	sadd.s32 $0x1, s20;
	s12 =	sadd.s32 @p0 s4, s11  }
0x13: {  	_ =	strace $0x90000048;
	s13 =	sand.u32 @p0 $0x1, s7;
	s12 =	sshll.u32 @p0 s12, $0x5  }
0x14: {  	_ =	strace @p0 $0x80000049;
	s15 =	simm.s32 @p0 $0x0;
	s12 =	sand.u32 @p0 $0x1FFFFFE0, s12  }
0x15: {  	s14 =	sshll.u32 @p0 s13, $0x8;
	s13 =	sadd.s32 @p0 $0x1, s13;
	s12 =	sadd.s32 @p0 s1, s12  }
0x16: {  	[tilespmem:s14], [sflag:s13] =	stream.linear.gather @p0 [hbm4b:s12+s15], $0x100, $0x200038;
	[tilespmem:$0x10200] =	vst v63  }
0x17: {  	p3 =	por p2, p2;
	s21 =	sshll.u32 s20, $0xF;
	_ =	strace @p0 $0x90000049  }
0x18: {  	s16 =	sand.u32 $0x100, s16;
	p2 =	por p5, p5;
	_ =	strace $0x8000004A  }
0x19: {  	s17 =	sadd.s32 $0x1, s11;
	s22 =	sor.u32 $0x200, s21;
	_ =	swait.ge [sflag:s30], $0x100  }
0x1a: {  	s21 =	simm.s32 $0x1;
	p6 =	por p1, p1;
	[sflag:s30] =	ssyncset.done $0x0  }
0x1b: {  	p1 =	por p3, p3;
	p4 =	por $0x1, $0x1;
	[sflag:s30] =	ssyncadd.s32 $0xFFFFFF00  }
0x1c: {  	s12 =	simm.s32 $0x18;
	s15 =	sand.u32 @!p3 $0x1, s2;
	_ =	strace $0x9000004A  }
0x1d: {  	s13 =	simm.s32 $0x1;
	p3 =	seq.s32 s17, $0x19;
	_ =	strace $0x8000004B  }
0x1e: {  	s13 =	simm.s32 @!p0 $0x0;
	s17 =	simm.s32 @p3 $0x0;
	s19 =	rddreg [dreg:$0x4]  }
0x1f: {  	p0 =	por $0x0, $0x0;
	s14 =	sadd.s32 $0x1, s13;
	s31 =	rddreg [dreg:$0x3]  }
0x20: {  	[tilespmem:s22], [sflag:$0x5] =	stream.indirect.gather [hbm4b:s31+s19], $0x80, s16, s19, $0x2000b8;
	[tilespmem:$0x10200] =	vst v63  }
0x21: {  	p3 =	sne.s32 s11, s17;
	s21 =	simm.s32 @!p0 $0x0;
	_ =	swait.ge [sflag:s8], $0x8000  }
0x22: {  	p5 =	por !p4, !p3;
	p4 =	por $0x0, $0x0;
	[sflag:s8] =	ssyncset.done $0x0  }
0x23: {  	s13 =	simm.s32 $0x0;
	p6 =	por p4, p6;
	[sflag:s8] =	ssyncadd.s32 $0xFFFF8000  }
0x24: {  	s16 =	simm.s32 $0x0;
	s19 =	simm.s32 $0x0;
	_ =	strace $0x9000004B  }
.LBB2_2:
0x25: {  	_ =	strace @p6 $0x8000004C;
	s13 =	sadd.s32 s21, s13;
	s21 =	smov.u32 s12  }
0x26: {  	s12 =	smov.u32 s18;
	s18 =	sadd.s32 $0xFFFFFFFF, s18;
	p0 =	por p3, p3  }
0x27: {  	s28 =	sshll.u32 @p6 s23, $0xC;
	s20 =	sadd.s32 @p6 $0x3, s20;
	s24 =	simm.s32 @!p0 $0x0  }
0x28: {  	s25 =	rddreg [dreg:$0x5];
	s28 =	sand.u32 @p6 $0x1FFFF000, s28;
	s24 =	simm.s32 @p0 $0x1  }
0x29: {  	s25 =	sadd.s32 @p6 s25, s28;
	s28 =	simm.s32 @p6 $0x0;
	p0 =	sne.s32 s18, $0x0  }
0x2a: {  	[hbm4b:s25+s28] =	stream.linear.scatter @p6 [tilespmem:s22], [sflag:s20], $0x8000, $0x200038;
	[tilespmem:$0x10200] =	vst v63  }
0x2b: {  	s20 =	sadd.s32 @!p1 $0x3, s15;
	s15 =	simm.s32 @!p0 $0x0  }
0x2c: {  	s26 =	simm.s32 $0x1;
	[smem:$0x7FC] =	sst s24;
	s15 =	simm.s32 @p0 $0x1  }
0x2d: {  	s26 =	simm.s32 @!p6 $0x0;
	_ =	strace @p6 $0x9000004C;
	[smem:$0x7FD] =	sst s15  }
0x2e: {  	p5 =	por !p5, !p5;
	s19 =	sadd.s32 s26, s19;
	_ =	strace @!p1 $0x8000004D  }
0x2f: {  	s24 =	sand.u32 @!p2 $0x1, s13;
	s22 =	sand.u32 @p5 $0x1, s14;
	_ =	swait.ge @!p1 [sflag:s20], $0x8000  }
0x30: {  	s15 =	smov.u32 s24;
	s24 =	sadd.s32 @p5 s4, s17;
	[sflag:s20] =	ssyncset.done @!p1 $0x0  }
0x31: {  	s25 =	sshll.u32 @p5 s22, $0x8;
	s24 =	sshll.u32 @p5 s24, $0x5;
	[sflag:s20] =	ssyncadd.s32 @!p1 $0xFFFF8000  }
0x32: {  	s20 =	sadd.s32 @p5 $0x1, s22;
	s22 =	sand.u32 @p5 $0x1FFFFFE0, s24;
	_ =	strace @!p1 $0x9000004D  }
0x33: {  	s24 =	simm.s32 @p5 $0x0;
	s22 =	sadd.s32 @p5 s1, s22;
	_ =	strace @p5 $0x80000049  }
0x34: {  	[tilespmem:s25], [sflag:s20] =	stream.linear.gather @p5 [hbm4b:s22+s24], $0x100, $0x200038;
	[tilespmem:$0x10200] =	vst v63  }
0x35: {  	s16 =	sadd.s32 s26, s16;
	s26 =	sand.u32 $0x1, s19;
	_ =	strace @p5 $0x90000049  }
0x36: {  	s24 =	sadd.s32 $0x1, s26;
	_ =	strace $0x8000004A  }
0x37: {  	_ =	swait.ge [sflag:s24], $0x100  }
0x38: {  	[sflag:s24] =	ssyncset.done $0x0  }
0x39: {  	s20 =	simm.s32 $0x1;
	[sflag:s24] =	ssyncadd.s32 $0xFFFFFF00  }
0x3a: {  	s20 =	simm.s32 @!p5 $0x0;
	_ =	strace $0x9000004A  }
0x3b: {  	s14 =	sadd.s32 s20, s14;
	s20 =	sand.u32 $0x1, s16;
	_ =	strace $0x8000004B  }
0x3c: {  	s29 =	sshll.u32 s19, $0x8;
	s25 =	sshll.u32 s20, $0xF;
	s26 =	rddreg [dreg:$0x4]  }
0x3d: {  	s29 =	sand.u32 $0x100, s29;
	s22 =	sor.u32 $0x200, s25;
	s30 =	rddreg [dreg:$0x3]  }
0x3e: {  	[tilespmem:s22], [sflag:$0x5] =	stream.indirect.gather [hbm4b:s30+s26], $0x80, s29, s26, $0x2000b8;
	[tilespmem:$0x10200] =	vst v63  }
0x3f: {  	_ =	swait.ge [sflag:s8], $0x8000  }
0x40: {  	s31 =	sadd.s32 $0x1, s17;
	[sflag:s8] =	ssyncset.done $0x0  }
0x41: {  	s23 =	sadd.s32 s4, s11;
	s11 =	smov.u32 s17;
	[sflag:s8] =	ssyncadd.s32 $0xFFFF8000  }
0x42: {  	p3 =	seq.s32 s31, $0x19;
	s17 =	smov.u32 s31;
	_ =	strace $0x9000004B  }
0x43: {  	s17 =	simm.s32 @p3 $0x0;
	s31 =	sld [smem:$0x7FD]  }
0x44: {  	p6 =	sne.s32 s12, $0x1;
	p0 =	sne.s32 s21, $0x19;
	p3 =	sne.s32 s11, s17  }
0x45: {  	p5 =	por !p6, !p3;
	p6 =	seq.s32 s21, $0x1;
	s21 =	simm.s32 $0x1  }
0x46: {  	s21 =	simm.s32 @!p0 $0x0;
	p0 =	seq.s32 s31, $0x1  }
.Ltmp0:
0x47: {  	s30 =	sld [smem:$0x7FC];
	(pc) =	sbr.rel @p0 .LBB2_2-.Ltmp0, $4  }
0x48: {  	_ = 	snop  }
0x49: {  	p4 =	seq.s32 s12, $0x19  }
0x4a: {  	p1 =	por p2, p2;
	p2 =	por p4, p4;
	p4 =	seq.s32 s30, $0x1  }
0x4b: {  	p6 =	por p6, p4  }
0x4c: {  	_ =	strace @p6 $0x8000004C;
	s23 =	sshll.u32 @p6 s23, $0xC  }
0x4d: {  	s18 =	rddreg [dreg:$0x5];
	s23 =	sand.u32 @p6 $0x1FFFF000, s23  }
0x4e: {  	s20 =	sadd.s32 @p6 $0x3, s20;
	s18 =	sadd.s32 @p6 s18, s23;
	s23 =	simm.s32 @p6 $0x0  }
0x4f: {  	[hbm4b:s18+s23] =	stream.linear.scatter @p6 [tilespmem:s22], [sflag:s20], $0x8000, $0x200038;
	[tilespmem:$0x10200] =	vst v63  }
0x50: {  	p0 =	por !p5, !p5;
	_ =	strace @p6 $0x9000004C  }
0x51: {  	s15 =	sadd.s32 @!p1 $0x3, s15;
	s17 =	sadd.s32 @p0 s4, s17;
	_ =	strace @!p1 $0x8000004D  }
0x52: {  	s14 =	sand.u32 @p0 $0x1, s14;
	s17 =	sshll.u32 @p0 s17, $0x5;
	_ =	swait.ge @!p1 [sflag:s15], $0x8000  }
0x53: {  	s18 =	simm.s32 $0x1;
	s20 =	sshll.u32 @p0 s14, $0x8;
	[sflag:s15] =	ssyncset.done @!p1 $0x0  }
0x54: {  	s14 =	sadd.s32 @p0 $0x1, s14;
	s18 =	simm.s32 @!p6 $0x0;
	[sflag:s15] =	ssyncadd.s32 @!p1 $0xFFFF8000  }
0x55: {  	s19 =	sadd.s32 s18, s19;
	s15 =	sand.u32 @p0 $0x1FFFFFE0, s17;
	_ =	strace @!p1 $0x9000004D  }
0x56: {  	s17 =	simm.s32 @p0 $0x0;
	s15 =	sadd.s32 @p0 s1, s15;
	_ =	strace @p0 $0x80000049  }
0x57: {  	[tilespmem:s20], [sflag:s14] =	stream.linear.gather @p0 [hbm4b:s15+s17], $0x100, $0x200038;
	[tilespmem:$0x10200] =	vst v63  }
0x58: {  	s25 =	sand.u32 $0x1, s19;
	_ =	strace @p0 $0x90000049  }
0x59: {  	s14 =	sadd.s32 $0x1, s25;
	_ =	strace $0x8000004A  }
0x5a: {  	_ =	swait.ge [sflag:s14], $0x100  }
0x5b: {  	[sflag:s14] =	ssyncset.done $0x0  }
0x5c: {  	[sflag:s14] =	ssyncadd.s32 $0xFFFFFF00  }
0x5d: {  	s26 =	sadd.s32 s18, s16;
	_ =	strace $0x9000004A  }
0x5e: {  	s14 =	sand.u32 $0x1, s26;
	_ =	strace $0x8000004B  }
0x5f: {  	s30 =	sshll.u32 s19, $0x8;
	s31 =	sshll.u32 s14, $0xF;
	s28 =	rddreg [dreg:$0x4]  }
0x60: {  	s17 =	sand.u32 $0x100, s30;
	s18 =	sor.u32 $0x200, s31;
	s29 =	rddreg [dreg:$0x3]  }
0x61: {  	[tilespmem:s18], [sflag:$0x5] =	stream.indirect.gather [hbm4b:s29+s28], $0x80, s17, s28, $0x2000b8;
	[tilespmem:$0x10200] =	vst v63  }
0x62: {  	_ =	swait.ge [sflag:s8], $0x8000  }
0x63: {  	[sflag:s8] =	ssyncset.done $0x0  }
0x64: {  	p5 =	por p3, p3;
	p6 =	seq.s32 s12, $0x1;
	[sflag:s8] =	ssyncadd.s32 $0xFFFF8000  }
0x65: {  	s11 =	sadd.s32 s4, s11;
	p0 =	por p6, p5;
	_ =	strace $0x9000004B  }
0x66: {  	s11 =	sshll.u32 @p0 s11, $0xC;
	_ =	strace @p0 $0x8000004C  }
0x67: {  	s13 =	sadd.s32 s21, s13;
	s11 =	sand.u32 @p0 $0x1FFFF000, s11;
	s12 =	rddreg [dreg:$0x5]  }
0x68: {  	s14 =	sadd.s32 @p0 $0x3, s14;
	s11 =	sadd.s32 @p0 s12, s11;
	s12 =	simm.s32 @p0 $0x0  }
0x69: {  	[hbm4b:s11+s12] =	stream.linear.scatter @p0 [tilespmem:s18], [sflag:s14], $0x8000, $0x200038;
	[tilespmem:$0x10200] =	vst v63  }
0x6a: {  	p1 =	por p2, p2;
	s11 =	sand.u32 @!p2 $0x1, s13;
	_ =	strace @p0 $0x9000004C  }
0x6b: {  	s11 =	sadd.s32 @!p1 $0x3, s11;
	_ =	strace @!p1 $0x8000004D  }
0x6c: {  	_ =	swait.ge @!p1 [sflag:s11], $0x8000  }
0x6d: {  	[sflag:s11] =	ssyncset.done @!p1 $0x0  }
0x6e: {  	s10 =	sadd.s32 $0x1, s10;
	[sflag:s11] =	ssyncadd.s32 @!p1 $0xFFFF8000  }
0x6f: {  	p0 =	sne.s32 s10, s6;
	_ =	strace @!p1 $0x9000004D  }
.Ltmp1:
0x70: {  	_ =	strace $0x8000004E;
	(pc) =	sbr.rel @p0 .LBB2_1-.Ltmp1, $4  }
0x71: {  	_ =	swait.ge [sflag:s9], $0x8000  }
0x72: {  	[sflag:s9] =	ssyncset.done $0x0  }
0x73: {  	[sflag:s9] =	ssyncadd.s32 $0xFFFF8000  }
0x74: {  	_ =	strace $0x9000004E  }
0x75: {  	_ =	sfence.sel $0x180000  }
0x76: {  	[bflag:$0x0] =	sbarrier.arrive $0xFFFF  }
0x77: {  	p0 =	sne.s32 s3, $0x0;
	_ =	strace $0x90000047  }
0x78: {  	s0 =	sadd.s32 @!p0 $0x100000, s0;
	[bflag:$0x2] =	sbarrier.arrive $0xFFFF  }
0x79: {  	[sflag:s0] =	ssyncadd.tile.s32 @!p0 $0x1;
	_ =	shalt  }
.Lfunc_end2:
_tile_overlayer_lowered:
.L_overlay_start_2:
0x7a: {  	(tag) =	ssettag $0x2  }
0x7b: {  	s0 =	rddreg [dreg:$0x0];
	s2 =	stileid.u32  }
0x7c: {  	s1 =	rddreg [dreg:$0x1];
	p0 =	sne.s32 s2, $0x0  }
0x7d: {  	s3 =	rddreg [dreg:$0x2];
	[bflag:$0x3] =	sbarrier.arrive $0xFFFF;
	s2 =	simm.s32 @!p0 $0x1C01  }
0x7e: {  	[timem:s3], [sflag:s2] =	dma.local @!p0 [hbm:s0], s1  }
0x7f: {  	s0 =	simm.s32 @!p0 $0x1  }
0x80: {  	_ =	swait.ge @!p0 [sflag:s0], s1  }
0x81: {  	s1 =	ssub.s32 @!p0 $0x0, s1;
	[sflag:s0] =	ssyncset.done @!p0 $0x0  }
0x82: {  	[sflag:s0] =	ssyncadd.s32 @!p0 s1  }
0x83: {  	[bflag:$0x3] =	sbarrier.arrive $0xFFFF  }
0x84: {  	_ =	shalt  }

// kernel: sparse-core-data-format-call.cloned.1.call-start
scs
called_computation_lowered:
.L_overlay_start_0:
0x0: {  	s2 =	sld [smem:$0x3FD9]  }
0x1: {  	s3 =	sld [smem:$0x3FFE];
	_ =	sdelay $0x1  }
0x2: {  	s1 =	srdreg.scid  }
0x3: {  	s0 =	sand.u32 $0x1, s1  }
0x4: {  	s18 =	sshll.u32 s0, $0xA;
	s2 =	sadd.s32 s3, s2  }
0x5: {  	s2 =	sadd.s32 s2, s18  }
0x6: {  	[smem:$0x3FC4] =	sst s2  }
0x7: {  	_ = 	snop  }
0x8: {  	s2 =	sld [smem:$0x3FD0];
	(tm) =	ssettm $0x1  }
0x9: {  	s19 =	sld [smem:$0x3FFB];
	_ =	sdelay $0x3  }
0xa: {  	_ =	strace s19  }
0xb: {  	s3 =	sld [smem:$0x3FFC];
	_ =	sdelay $0x3  }
0xc: {  	_ =	strace s3  }
0xd: {  	s3 =	sld [smem:$0x3FFD];
	_ =	sdelay $0x3  }
0xe: {  	_ =	strace s3  }
0xf: {  	_ =	strace $0x8FFFFFFF  }
0x10: {  	s20 =	sld [smem:$0x3FDB];
	_ =	sdelay $0x1  }
0x11: {  	s4 =	simm.s32 $_scs_section_size  }
0x12: {  	s5 =	simm.s32 $_size__tile_overlayer_lowered;
	s6 =	simm.s32 $_tile_overlayer_lowered  }
0x13: {  	s23 =	simm.s32 $0x1BFF;
	s22 =	sshll.u32 s6, $0x1;
	s3 =	sadd.s32 s4, s20  }
0x14: {  	s7 =	simm.s32 $0x0;
	s21 =	sshll.u32 s5, $0x1;
	s5 =	sadd.s32 s22, s3  }
0x15: {  	[timem:s7], [sflag:s23] =	dma.local [hbm:s5], s21  }
0x16: {  	_ =	swait.ge [sflag:s23], s21  }
0x17: {  	s4 =	ssub.s32 $0x0, s21;
	[sflag:s23] =	ssyncset.done $0x0  }
0x18: {  	[sflag:s23] =	ssyncadd.s32 s4;
	_ =	sdelay $0x1  }
0x19: {  	s24 =	simm.s32 $0x1B8B  }
0x1a: {  	_ =	swait.ge [sflag:s24], $0x1  }
0x1b: {  	[sflag:s24] =	ssyncset.done $0x0  }
0x1c: {  	s26 =	simm.s32 $0x1B8E;
	s25 =	sld [smem:$0x3FFE];
	[sflag:s24] =	ssyncadd.s32 $0xFFFFFFFF  }
0x1d: {  	s27 =	simm.s32 $execute0_lowered;
	[smem:$0x3FD2] =	sst s26  }
0x1e: {  	s5 =	sshll.u32 s27, $0x1;
	_ =	strace $0x80000050;
	[dreg:$0x1] =	wrdreg $0xFFFFFFFF  }
0x1f: {  	s28 =	simm.s32 $_size_execute0_lowered;
	s3 =	sadd.s32 s3, s5;
	[dreg:$0x0] =	wrdreg $0x0  }
0x20: {  	s5 =	sshll.u32 s28, $0x1;
	[dreg:$0x2] =	wrdreg s3  }
0x21: {  	[dreg:$0x3] =	wrdreg s5  }
0x22: {  	[dreg:$0x4] =	wrdreg $0xC0  }
0x23: {  	_ =	task [dreg:s7], $0x5FFFF  }
0x24: {  	[dreg:$0x1] =	wrdreg $0xFFFFFFFF  }
0x25: {  	[dreg:$0x0] =	wrdreg $0x60  }
0x26: {  	[dreg:$0x2] =	wrdreg s25  }
0x27: {  	[dreg:$0x3] =	wrdreg s2  }
0x28: {  	[dreg:$0x4] =	wrdreg $0x9  }
0x29: {  	_ =	task.clear_ibuf [dreg:s7], $0x5FFFF;
	_ =	strace $0x90000050  }
0x2a: {  	s29 =	simm.s32 $0x9;
	_ =	strace $0x80000052  }
0x2b: {  	_ =	swait.ge [sflag:s29], $0x1  }
0x2c: {  	[sflag:s29] =	ssyncadd.s32 $0xFFFFFFFF  }
0x2d: {  	_ =	strace $0x90000052  }
0x2e: {  	_ =	sfence  }
0x2f: {  	s30 =	sld [smem:$0x0];
	_ =	sdelay $0x2  }
0x30: {  	s31 =	sshll.u32 s1, $0xD;
	s1 =	sshrl.u32 s1, $0x2  }
0x31: {  	s3 =	sand.u32 $0x4000, s31;
	s1 =	sadd.s32 s1, s30  }
0x32: {  	s0 =	sor.u32 s3, s0;
	s1 =	sshll.u32 s1, $0x11  }
0x33: {  	s0 =	sor.u32 s1, s0  }
0x34: {  	s0 =	sadd.s32 $0x8F2B, s0  }
0x35: {  	[sflag:s0] =	ssyncadd.remote.s32 $0x1  }
0x36: {  	_ =	sfence.sel $0xFFFF  }
0x37: {  	[dreg:$0x0] =	wrdreg $0xFFFFFFFF;
	(pc) =	sbr.abs _section_cstart, $3  }
0x38: {  	[dreg:$0x1] =	wrdreg $0xFFFFFFFF  }
0x39: {  	_ =	task.clear_ibuf [dreg:s7], $0x2FFFF;
	_ =	strace $0x9FFFFFFF  }
0x3a: {  	(tm) =	ssettm $0x7FFFFFFF  }
0x3b: {  	_ =	shalt  }
tec
execute0_lowered:
.L_overlay_start_1:
0x0: {  	(tag) =	ssettag $0x1  }
0x1: {  	s0 =	srdreg.scid;
	s5 =	rddreg [dreg:$0x0]  }
0x2: {  	s3 =	rddreg [dreg:$0x1];
	s1 =	sshll.u32 s0, $0x4  }
0x3: {  	s7 =	simm.s32 $0x1;
	s0 =	stileid.u32;
	s1 =	sand.u32 $0x10, s1  }
0x4: {  	s8 =	simm.s32 $0x2;
	s15 =	simm.s32 $0x0;
	s1 =	sor.u32 s0, s1  }
0x5: {  	s14 =	simm.s32 $0x0;
	s9 =	simm.s32 $0x0;
	s2 =	sshll.u32 s1, $0x7  }
0x6: {  	s10 =	simm.s32 $0x0;
	s11 =	simm.s32 $0x0;
	s6 =	ssub.s32 $0x1000, s2  }
0x7: {  	s13 =	simm.s32 $0x0;
	s5 =	sadd.s32 $0xC00, s5;
	s4 =	sand.u32 $0xF80, s6  }
.Ltmp0:
0x8: {  	s1 =	rddreg [dreg:$0x2];
	p0 =	sne.s32 s4, $0x0;
	(pc) =	sbr.rel .LBB1_1-.Ltmp0, $4  }
0x9: {  	_ =	strace $0x80000051;
	s6 =	sshrl.u32 s6, $0xC;
	s7 =	simm.s32 @!p0 $0x0  }
0xa: {  	s12 =	smov.u32 s2;
	s4 =	simm.s32 $0x1;
	s6 =	sadd.s32 s7, s6  }
0xb: {  	[sflag:s4] =	ssyncpa.u1 $0x0;
	p0 =	por $0x0, $0x0;
	s6 =	sshll.u32 s6, $0x6  }
0xc: {  	[sflag:s8] =	ssyncpa.u1 $0x0;
	s8 =	simm.s32 $0x40000;
	s7 =	sor.u32 $0x1, s6  }
.LBB1_4:
0xd: {  	p1 =	sgt.s32 s9, $0x3F;
	s18 =	smov.u32 s9;
	s19 =	sshra.s32 s9, $0x1F  }
0xe: {  	s20 =	sand.u32 $0x78, s10;
	s21 =	sshll.u32 s9, $0xC;
	s31 =	sshra.s32 s10, $0x1F  }
0xf: {  	s23 =	sshll.u32 s10, $0x3;
	s26 =	sshll.u32 s9, $0x7;
	s18 =	simm.s32 @!p1 $0x3F  }
0x10: {  	s19 =	sand.u32 s19, s9;
	p1 =	sgt.s32 s10, $0xF80;
	s21 =	sand.u32 $0x38000, s21  }
0x11: {  	s24 =	sand.u32 $0x3FC00, s23;
	s18 =	ssub.s32 s18, s19;
	s19 =	smov.u32 s10  }
0x12: {  	s23 =	sand.u32 $0xC00, s23;
	s22 =	sadd.s32 $0xFFFFFFC1, s18;
	s19 =	simm.s32 @!p1 $0xF80  }
0x13: {  	s18 =	ssub.s32 $0x40, s18;
	p1 =	sgt.s32 s22, $0x0;
	s22 =	sand.u32 s31, s10  }
0x14: {  	s21 =	sadd.s32 s24, s21;
	s18 =	smul.u32 $0x32, s18;
	s19 =	ssub.s32 s19, s22  }
0x15: {  	s20 =	sor.u32 s20, s23;
	s22 =	sand.u32 $0x380, s26;
	s25 =	sadd.s32 $0xFFFFF080, s19  }
0x16: {  	s18 =	simm.s32 @p1 $0x0;
	s19 =	ssub.s32 $0x1000, s19;
	p1 =	sgt.s32 s25, $0x7F  }
0x17: {  	s21 =	sand.u32 $0x3F000, s21;
	s20 =	sor.u32 s22, s20;
	s19 =	simm.s32 @p1 $0x0  }
0x18: {  	[tilespmem:s17+$0x810 ss:$0x81] =	vst.msk $0xffff, v2;
	s28 =	sand.u32 $0x7, s10;
	s27 =	sor.u32 s21, s20;
	s18 =	smul.u32 s19, s18  }
0x19: {  	[tilespmem:s17+$0x1020 ss:$0x81] =	vst.msk $0xffff, v0;
	s20 =	sshll.u32 s28, $0x12;
	s19 =	sshrl.u32 s27, $0x3  }
0x1a: {  	[tilespmem:s17+$0x0 ss:$0x81] =	vst.msk $0xffff, v1;
	s31 =	sor.u32 $0x80, s20;
	s30 =	sadd.s32 s3, s19;
	s29 =	sand.u32 $0x3FFFFFFE, s18  }
0x1b: {  	[hbm4b:s30+s31] =	stream.strided.scatter [tilespmem:s16], [sflag:$0x2], s29, s8, s31, $0x20;
	[tilespmem:$0x8080] =	vst v63  }
.LBB1_5:
0x1c: {  	p1 =	slt.u32 s13, $0x2  }
0x1d: {  	s17 =	smov.u32 s15;
	p2 =	sgt.s32 @!p1 s15, $0x3F;
	s16 =	sshra.s32 @!p1 s15, $0x1F  }
0x1e: {  	p3 =	sgt.s32 @!p1 s14, $0xF80;
	s18 =	sshra.s32 @!p1 s14, $0x1F;
	p2 =	por !p2, p1  }
0x1f: {  	s15 =	sand.u32 @!p1 s16, s15;
	p3 =	por !p3, p1;
	s16 =	smov.u32 s14  }
0x20: {  	s14 =	sand.u32 @!p1 s18, s14;
	s17 =	simm.s32 @p2 $0x3F;
	s16 =	simm.s32 @p3 $0xF80  }
0x21: {  	s18 =	smov.u32 s12;
	s15 =	ssub.s32 @!p1 s17, s15;
	s14 =	ssub.s32 @!p1 s16, s14  }
0x22: {  	s16 =	sadd.s32 @!p1 $0xFFFFFFC1, s15;
	s15 =	ssub.s32 @!p1 $0x40, s15;
	s17 =	sadd.s32 @!p1 $0xFFFFF080, s14  }
0x23: {  	p2 =	sgt.s32 @!p1 s16, $0x0;
	s15 =	smul.u32 @!p1 $0x32, s15;
	p3 =	sgt.s32 @!p1 s17, $0x7F  }
0x24: {  	s14 =	ssub.s32 @!p1 $0x1000, s14;
	p2 =	por !p2, p1;
	p3 =	por !p3, p1  }
0x25: {  	s16 =	sadd.s32 $0x1, s11;
	s15 =	simm.s32 @!p2 $0x0;
	s14 =	simm.s32 @!p3 $0x0  }
0x26: {  	p2 =	sgt.s32 s16, $0x3F;
	s14 =	smul.u32 @!p1 s14, s15;
	s15 =	sadd.s32 $0x1000, s12  }
0x27: {  	s18 =	smov.u32 @p2 s15  }
0x28: {  	s16 =	simm.s32 @p2 $0x0;
	p2 =	sgt.s32 s18, $0xFFF  }
0x29: {  	s18 =	smov.u32 @p2 s2;
	p2 =	sne.s32 s13, s7  }
.Ltmp1:
0x2a: {  	p0 =	por !p0, !p0;
	s17 =	simm.s32 @!p1 $0x2;
	(pc) =	sbr.rel @!p2 .LBB1_6-.Ltmp1, $4  }
0x2b: {  	s15 =	smov.u32 s9;
	s9 =	smov.u32 s11;
	s14 =	sand.u32 @!p1 $0x3FFFFFFE, s14  }
0x2c: {  	s11 =	smov.u32 s16;
	_ =	swait.ge @!p1 [sflag:s17], s14;
	s19 =	ssub.s32 @!p1 $0x0, s14  }
0x2d: {  	s14 =	smov.u32 s10;
	s13 =	sadd.s32 $0x1, s13;
	[sflag:s17] =	ssyncset.done @!p1 $0x0  }
0x2e: {  	s10 =	smov.u32 s12;
	s12 =	smov.u32 s18;
	[sflag:s17] =	ssyncadd.s32 @!p1 s19  }
.LBB1_1:
0x2f: {  	p1 =	sge.u32 s13, s6  }
0x30: {  	s31 =	sadd.s32 $0xFFFFFFFF, s13;
	s16 =	sxor.u32 @!p1 $0xFFFFFFFF, s13  }
0x31: {  	s17 =	sshll.u32 @!p1 s12, $0xA;
	s18 =	sshll.u32 @!p1 s11, $0x4;
	s19 =	simm.s32 @!p1 $0x2000  }
0x32: {  	s16 =	sshll.u32 @!p1 s16, $0xD;
	s18 =	sand.u32 @!p1 $0x3F0, s18;
	s17 =	sadd.s32 @!p1 s5, s17  }
0x33: {  	s16 =	sand.u32 @!p1 $0x2000, s16;
	s17 =	sadd.s32 @!p1 s18, s17;
	s18 =	simm.s32 @!p1 $0x40  }
0x34: {  	[tilespmem:s16], [sflag:$0x1] =	stream.strided.gather @!p1 [hbm4b:s17+s18], $0x2000, s19, s18, $0x38;
	[tilespmem:$0x8080] =	vst v63  }
0x35: {  	p1 =	sge.u32 s31, s6  }
.Ltmp2:
0x36: {  	_ = 	snop;
	(pc) =	sbr.rel @p1 .LBB1_5-.Ltmp2, $1  }
0x37: {  	_ =	sdelay $0x3  }
0x38: {  	s16 =	simm.s32 $0x1  }
0x39: {  	_ =	swait.ge [sflag:s4], $0x2000;
	s16 =	simm.s32 @!p0 $0x0  }
0x3a: {  	[sflag:s4] =	ssyncset.done $0x0;
	s17 =	sshll.u32 s16, $0xD  }
0x3b: {  	[sflag:s4] =	ssyncadd.s32 $0xFFFFE000;
	s20 =	sor.u32 $0x20, s17  }
0x3c: {  	s16 =	smul.u32 $0x8100, s16;
	v3 =	vld [tilespmem:s20+$0x10]  }
0x3d: {  	s30 =	sand.u32 $0x1, s13;
	v2 =	vld [tilespmem:s20+$0xFFFFFFF0]  }
0x3e: {  	s17 =	smul.u32 $0x8100, s30;
	s16 =	sshrl.u32 s16, $0x2;
	v0 =	vld [tilespmem:s20+$0x0]  }
0x3f: {  	v1 =	vld [tilespmem:s20+$0xFFFFFFE0];
	s18 =	sor.u32 $0x4000, s16  }
0x40: {  	s31 =	sshrl.u32 s17, $0x2;
	s17 =	sadd.s32 $0x0, s18  }
0x41: {  	s19 =	simm.s32 $0x4;
	s20 =	sadd.s32 $0x40, s20;
	s16 =	sor.u32 $0x4000, s31;
	[tilespmem:s17+$0x1830 ss:$0x81] =	vst.msk $0xffff, v3  }
.LBB1_3:
0x42: {  	v3 =	vld [tilespmem:s20+$0x10];
	p1 =	sne.s32 s19, $0x1FC;
	[tilespmem:s17+$0x810 ss:$0x81] =	vst.msk $0xffff, v2;
	s21 =	smov.u32 s19;
	s19 =	sadd.s32 $0x4, s19  }
.Ltmp3:
0x43: {  	v2 =	vld [tilespmem:s20+$0xFFFFFFF0];
	[tilespmem:s17+$0x1020 ss:$0x81] =	vst.msk $0xffff, v0;
	(pc) =	sbr.rel @p1 .LBB1_3-.Ltmp3, $4  }
0x44: {  	v0 =	vld [tilespmem:s20+$0x0];
	[tilespmem:s17+$0x0 ss:$0x81] =	vst.msk $0xffff, v1  }
0x45: {  	s17 =	sshra.s32 s21, $0x2;
	v1 =	vld [tilespmem:s20+$0xFFFFFFE0]  }
0x46: {  	s17 =	sadd.s32 s17, s18  }
0x47: {  	s20 =	sadd.s32 $0x40, s20;
	[tilespmem:s17+$0x1830 ss:$0x81] =	vst.msk $0xffff, v3  }
.Ltmp4:
0x48: {  	_ = 	snop;
	(pc) =	sbr.rel .LBB1_4-.Ltmp4, $1  }
0x49: {  	_ =	sdelay $0x3  }
.LBB1_6:
0x4a: {  	_ =	sfence.sel $0x180000  }
0x4b: {  	s2 =	simm.s32 $0x1;
	[bflag:$0x0] =	sbarrier.arrive $0xFFFF  }
0x4c: {  	s31 =	simm.s32 $0x2;
	[sflag:s2] =	ssyncpa.u1 $0x1  }
0x4d: {  	[sflag:s31] =	ssyncpa.u1 $0x1  }
0x4e: {  	p0 =	sne.s32 s0, $0x0;
	_ =	strace $0x90000051  }
0x4f: {  	s0 =	sadd.s32 @!p0 $0x100000, s1;
	[bflag:$0x2] =	sbarrier.arrive $0xFFFF  }
0x50: {  	[sflag:s0] =	ssyncadd.tile.s32 @!p0 $0x1;
	_ =	shalt  }
.Lfunc_end1:
_tile_overlayer_lowered:
.L_overlay_start_2:
0x51: {  	(tag) =	ssettag $0x2  }
0x52: {  	s0 =	rddreg [dreg:$0x0];
	s2 =	stileid.u32  }
0x53: {  	s1 =	rddreg [dreg:$0x1];
	p0 =	sne.s32 s2, $0x0  }
0x54: {  	s3 =	rddreg [dreg:$0x2];
	[bflag:$0x3] =	sbarrier.arrive $0xFFFF;
	s2 =	simm.s32 @!p0 $0x1C01  }
0x55: {  	[timem:s3], [sflag:s2] =	dma.local @!p0 [hbm:s0], s1  }
0x56: {  	s0 =	simm.s32 @!p0 $0x1  }
0x57: {  	_ =	swait.ge @!p0 [sflag:s0], s1  }
0x58: {  	s1 =	ssub.s32 @!p0 $0x0, s1;
	[sflag:s0] =	ssyncset.done @!p0 $0x0  }
0x59: {  	[sflag:s0] =	ssyncadd.s32 @!p0 s1  }
0x5a: {  	[bflag:$0x3] =	sbarrier.arrive $0xFFFF  }
0x5b: {  	_ =	shalt  }

</sc_bundles>
